<compile_context>
chip_gen: v7x
topology: tpu7x:2x2x1
jax: 0.10.2.dev20260603
libtpu: 0.0.44.dev20260713+nightly
codegen_flags: <defaults>
</compile_context>

<pallas_src>
import functools

import jax
import jax.numpy as jnp
from jax import lax
from jax.experimental import pallas as pl
from jax.experimental.pallas import tpu as pltpu
from jax.experimental.pallas import tpu_sc as plsc

B = 16384
D = 200
K = 64
L = 16
_CH = 128

_info = plsc.get_sparse_core_info()
_NC, _NS = _info.num_cores, _info.num_subcores
_NW = _NC * _NS
_BPW = B // _NW
_SP = 256
_LN2 = 0.6931471805599453


def _log_vec(s):
    bits = lax.bitcast_convert_type(s, jnp.int32)
    y = (bits.astype(jnp.float32) * (1.0 / (1 << 23)) - 127.0) * _LN2
    for _ in range(3):
        y = y - 1.0 + s * jnp.exp(-y)
    return y


def _body(tbl_hbm, ndt_hbm, probs_hbm, out_hbm, rc_v, fidx_v, gat_v, p_v,
          lsm_v, out_v, sem_po, *sem_g):
    sem_p = sem_o = sem_po
    wid = lax.axis_index("s") * _NC + lax.axis_index("c")
    iota = lax.iota(jnp.int32, L)

    rc_stage = [
        pltpu.async_copy(
            ndt_hbm.at[pl.ds(0, 2), pl.ds(wid * _BPW + ch * _CH, _CH)],
            rc_v.at[pl.ds(0, 2), pl.ds(ch * _CH, _CH)],
            sem_g[ch],
        )
        for ch in range(_BPW // _CH)
    ]
    p_stage = pltpu.async_copy(probs_hbm, p_v, sem_p)

    copies = []
    for ch in range(_BPW // _CH):
        rc_stage[ch].wait()

        def _fidx(j, carry, base=ch * _CH):
            sl = pl.ds(base + j * L, L)
            fidx_v[sl] = rc_v[1, sl] * _SP + rc_v[0, sl]
            return carry

        lax.fori_loop(0, _CH // L, _fidx, 0)
        copies.append(
            pltpu.async_copy(
                tbl_hbm.at[fidx_v.at[pl.ds(ch * _CH, _CH)]],
                gat_v.at[pl.ds(ch * _CH, _CH)],
                sem_g[ch],
            )
        )

    p_stage.wait()

    def _xlane(vec, op):
        for sh in (8, 4, 2, 1):
            perm = vec.at[jnp.bitwise_xor(iota, sh)].get(
                mode="promise_in_bounds")
            vec = op(vec, perm)
        return vec

    vs = [p_v[pl.ds(k * L, L)] for k in range(K // L)]
    mx = vs[0]
    for v in vs[1:]:
        mx = jnp.maximum(mx, v)
    m = _xlane(mx, jnp.maximum)
    se = jnp.exp(vs[0] - m)
    for v in vs[1:]:
        se = se + jnp.exp(v - m)
    s = _xlane(se, jnp.add)
    lse = m + _log_vec(s)
    for k in range(K // L):
        lsm_v[pl.ds(k * L, L)] = vs[k] - lse

    outs = []
    for ch in range(_BPW // _CH):
        copies[ch].wait()

        def _lookup(j, carry, base=ch * _CH):
            sl = pl.ds(base + j * L, L)
            out_v[sl] = plsc.load_gather(lsm_v, [gat_v[sl]])
            return carry

        lax.fori_loop(0, _CH // L, _lookup, 0)
        outs.append(
            pltpu.async_copy(
                out_v.at[pl.ds(ch * _CH, _CH)],
                out_hbm.at[pl.ds(wid * _BPW + ch * _CH, _CH)],
                sem_o,
            )
        )
    for cp in outs:
        cp.wait()


@jax.jit
def _run(tbl, ndt, probs):
    mesh = plsc.VectorSubcoreMesh(core_axis_name="c", subcore_axis_name="s")
    k = functools.partial(
        pl.kernel,
        mesh=mesh,
        compiler_params=pltpu.CompilerParams(needs_layout_passes=False),
        out_type=jax.ShapeDtypeStruct((B,), jnp.float32),
        scratch_types=[
            pltpu.VMEM((2, _BPW), jnp.int32),
            pltpu.VMEM((_BPW,), jnp.int32),
            pltpu.VMEM((_BPW,), jnp.int32),
            pltpu.VMEM((K,), jnp.float32),
            pltpu.VMEM((K,), jnp.float32),
            pltpu.VMEM((_BPW,), jnp.float32),
            pltpu.SemaphoreType.DMA,
            pltpu.SemaphoreType.DMA,
            pltpu.SemaphoreType.DMA,
            pltpu.SemaphoreType.DMA,
            pltpu.SemaphoreType.DMA,
        ],
    )(_body)
    return k(tbl, ndt, probs)


def kernel(inputs, nd_idxs, probs):
    tbl = inputs[:_SP].T.reshape(-1)
    return _run(tbl, nd_idxs.T, probs).reshape(-1, 1)

# --- scband reference (transcript-rebuilt; emitter-appended) ---
"""Pipeline reference for scband-categorical-layer-82317343195419 (READ-ONLY COPY).

The authoritative reference and input builder live on the scoring server;
editing this copy changes nothing except your own understanding.
"""

import jax, jax.numpy as jnp
import numpy as np

B = 16384
D = 200
K = 64

def setup_inputs(seed: int = 0) -> dict:
    key = jax.random.key(seed)
    k1, k2 = jax.random.split(key)
    # inputs holds category indices in [0, K); stored as int (module casts via .long())
    inputs = jax.random.randint(k1, (B, D), 0, K).astype(jnp.int32)
    # nd_idxs[:, 0] indexes rows, nd_idxs[:, 1] indexes cols; both kept < min(B, D) = 200
    nd_idxs = jax.random.randint(k2, (B, 2), 0, D).astype(jnp.int32)
    # learned parameter: logit vector of length K (initialized to zeros, matching prob=all-zeros)
    probs = jnp.zeros((K,), dtype=jnp.float32)
    return {"inputs": inputs, "nd_idxs": nd_idxs, "probs": probs}

def reference(inputs, nd_idxs, probs):
    # x = inputs[nd_idxs[:,0], nd_idxs[:,1]]  -> one gathered category per batch row
    x = inputs[nd_idxs[:, 0], nd_idxs[:, 1]]
    x = x.reshape(inputs.shape[0], 1)
    # softmax over the logit vector (dim=0), then Categorical.log_prob(x) = log(softmax)[x]
    softmax_probs = jax.nn.softmax(probs, axis=0)
    x_idx = x.squeeze(-1).astype(jnp.int32)
    log_prob = jnp.log(softmax_probs)[x_idx]
    return log_prob.reshape(-1, 1)

if __name__ == "__main__":
    import jax
    _d = setup_inputs()
    print(jax.jit(kernel)(*tuple(_d.values())))

</pallas_src>

<mosaic_0001>
#map = affine_map<(d0, d1) -> (0)>
#map1 = affine_map<(d0, d1) -> (0, 0)>
module attributes {stable_mosaic.version = 14 : i64} {
  func.func @_body(%arg0: i32, %arg1: i32, %arg2: memref<51200xi32, #tpu.memory_space<hbm>>, %arg3: memref<2x16384xi32, #tpu.memory_space<hbm>>, %arg4: memref<64xf32, #tpu.memory_space<hbm>>, %arg5: memref<16384xf32, #tpu.memory_space<hbm>>, %arg6: memref<2x512xi32, #tpu.memory_space<vmem>>, %arg7: memref<512xi32, #tpu.memory_space<vmem>>, %arg8: memref<512xi32, #tpu.memory_space<vmem>>, %arg9: memref<64xf32, #tpu.memory_space<vmem>>, %arg10: memref<64xf32, #tpu.memory_space<vmem>>, %arg11: memref<512xf32, #tpu.memory_space<vmem>>, %arg12: memref<!tpu.dma_semaphore, #tpu.memory_space<semaphore_mem>>, %arg13: memref<!tpu.dma_semaphore, #tpu.memory_space<semaphore_mem>>, %arg14: memref<!tpu.dma_semaphore, #tpu.memory_space<semaphore_mem>>, %arg15: memref<!tpu.dma_semaphore, #tpu.memory_space<semaphore_mem>>, %arg16: memref<!tpu.dma_semaphore, #tpu.memory_space<semaphore_mem>>) attributes {dimension_semantics = [#tpu.dimension_semantics<core_parallel>, #tpu.dimension_semantics<subcore_parallel>], iteration_bounds = array<i64: 2, 16>, scalar_prefetch = 0 : i64, scratch_operands = 11 : i64, tpu.core_type = #tpu.core_type<sc_vector_subcore>, window_params = [{transform_indices = #map}, {transform_indices = #map1}, {transform_indices = #map}, {transform_indices = #map}]} {
    %mul3A = arith.constant 2 : i32
    %mul3A_0 = arith.muli %arg1, %mul3A : i32
    %add3A = arith.addi %mul3A_0, %arg0 : i32
    %iota3A = tpu.iota {dimensions = array<i32: 0>} : vector<16xi32>
    %mul3A_1 = arith.constant 512 : i32
    %mul3A_2 = arith.muli %add3A, %mul3A_1 : i32
    %add3A_3 = arith.constant 0 : i32
    %add3A_4 = arith.addi %mul3A_2, %add3A_3 : i32
    %dma_start3A = arith.constant 0 : i32
    %dma_start3A_5 = arith.constant 0 : i32
    %dma_start3A_6 = tpu.memref_slice %arg6[%dma_start3A, %dma_start3A_5] : memref<2x512xi32, #tpu.memory_space<vmem>> -> memref<2x128xi32, #tpu.memory_space<vmem>>
    %dma_start3A_7 = arith.constant 0 : i32
    %dma_start3A_8 = tpu.memref_slice %arg3[%dma_start3A_7, %add3A_4] : memref<2x16384xi32, #tpu.memory_space<hbm>> -> memref<2x128xi32, #tpu.memory_space<hbm>>
    %dma_start3A_9 = arith.constant 0 : i32
    %dma_start3A_10 = arith.constant 0 : i32
    %dma_start3A_11 = tpu.memref_slice %arg6[%dma_start3A_9, %dma_start3A_10] : memref<2x512xi32, #tpu.memory_space<vmem>> -> memref<2x128xi32, #tpu.memory_space<vmem>>
    %dma_start3A_12 = arith.constant 0 : i32
    %dma_start3A_13 = tpu.memref_slice %arg3[%dma_start3A_12, %add3A_4] : memref<2x16384xi32, #tpu.memory_space<hbm>> -> memref<2x128xi32, #tpu.memory_space<hbm>>
    tpu.enqueue_dma source(%dma_start3A_13 : memref<2x128xi32, #tpu.memory_space<hbm>>) target(%dma_start3A_11 : memref<2x128xi32, #tpu.memory_space<vmem>>) target_semaphore(%arg13 : memref<!tpu.dma_semaphore, #tpu.memory_space<semaphore_mem>>)
    %mul3A_14 = arith.constant 512 : i32
    %mul3A_15 = arith.muli %add3A, %mul3A_14 : i32
    %add3A_16 = arith.constant 128 : i32
    %add3A_17 = arith.addi %mul3A_15, %add3A_16 : i32
    %dma_start3A_18 = arith.constant 0 : i32
    %dma_start3A_19 = arith.constant 128 : i32
    %dma_start3A_20 = tpu.memref_slice %arg6[%dma_start3A_18, %dma_start3A_19] : memref<2x512xi32, #tpu.memory_space<vmem>> -> memref<2x128xi32, #tpu.memory_space<vmem>>
    %dma_start3A_21 = arith.constant 0 : i32
    %dma_start3A_22 = tpu.memref_slice %arg3[%dma_start3A_21, %add3A_17] : memref<2x16384xi32, #tpu.memory_space<hbm>> -> memref<2x128xi32, #tpu.memory_space<hbm>>
    %dma_start3A_23 = arith.constant 0 : i32
    %dma_start3A_24 = arith.constant 128 : i32
    %dma_start3A_25 = tpu.memref_slice %arg6[%dma_start3A_23, %dma_start3A_24] : memref<2x512xi32, #tpu.memory_space<vmem>> -> memref<2x128xi32, #tpu.memory_space<vmem>>
    %dma_start3A_26 = arith.constant 0 : i32
    %dma_start3A_27 = tpu.memref_slice %arg3[%dma_start3A_26, %add3A_17] : memref<2x16384xi32, #tpu.memory_space<hbm>> -> memref<2x128xi32, #tpu.memory_space<hbm>>
    tpu.enqueue_dma source(%dma_start3A_27 : memref<2x128xi32, #tpu.memory_space<hbm>>) target(%dma_start3A_25 : memref<2x128xi32, #tpu.memory_space<vmem>>) target_semaphore(%arg14 : memref<!tpu.dma_semaphore, #tpu.memory_space<semaphore_mem>>)
    %mul3A_28 = arith.constant 512 : i32
    %mul3A_29 = arith.muli %add3A, %mul3A_28 : i32
    %add3A_30 = arith.constant 256 : i32
    %add3A_31 = arith.addi %mul3A_29, %add3A_30 : i32
    %dma_start3A_32 = arith.constant 0 : i32
    %dma_start3A_33 = arith.constant 256 : i32
    %dma_start3A_34 = tpu.memref_slice %arg6[%dma_start3A_32, %dma_start3A_33] : memref<2x512xi32, #tpu.memory_space<vmem>> -> memref<2x128xi32, #tpu.memory_space<vmem>>
    %dma_start3A_35 = arith.constant 0 : i32
    %dma_start3A_36 = tpu.memref_slice %arg3[%dma_start3A_35, %add3A_31] : memref<2x16384xi32, #tpu.memory_space<hbm>> -> memref<2x128xi32, #tpu.memory_space<hbm>>
    %dma_start3A_37 = arith.constant 0 : i32
    %dma_start3A_38 = arith.constant 256 : i32
    %dma_start3A_39 = tpu.memref_slice %arg6[%dma_start3A_37, %dma_start3A_38] : memref<2x512xi32, #tpu.memory_space<vmem>> -> memref<2x128xi32, #tpu.memory_space<vmem>>
    %dma_start3A_40 = arith.constant 0 : i32
    %dma_start3A_41 = tpu.memref_slice %arg3[%dma_start3A_40, %add3A_31] : memref<2x16384xi32, #tpu.memory_space<hbm>> -> memref<2x128xi32, #tpu.memory_space<hbm>>
    tpu.enqueue_dma source(%dma_start3A_41 : memref<2x128xi32, #tpu.memory_space<hbm>>) target(%dma_start3A_39 : memref<2x128xi32, #tpu.memory_space<vmem>>) target_semaphore(%arg15 : memref<!tpu.dma_semaphore, #tpu.memory_space<semaphore_mem>>)
    %mul3A_42 = arith.constant 512 : i32
    %mul3A_43 = arith.muli %add3A, %mul3A_42 : i32
    %add3A_44 = arith.constant 384 : i32
    %add3A_45 = arith.addi %mul3A_43, %add3A_44 : i32
    %dma_start3A_46 = arith.constant 0 : i32
    %dma_start3A_47 = arith.constant 384 : i32
    %dma_start3A_48 = tpu.memref_slice %arg6[%dma_start3A_46, %dma_start3A_47] : memref<2x512xi32, #tpu.memory_space<vmem>> -> memref<2x128xi32, #tpu.memory_space<vmem>>
    %dma_start3A_49 = arith.constant 0 : i32
    %dma_start3A_50 = tpu.memref_slice %arg3[%dma_start3A_49, %add3A_45] : memref<2x16384xi32, #tpu.memory_space<hbm>> -> memref<2x128xi32, #tpu.memory_space<hbm>>
    %dma_start3A_51 = arith.constant 0 : i32
    %dma_start3A_52 = arith.constant 384 : i32
    %dma_start3A_53 = tpu.memref_slice %arg6[%dma_start3A_51, %dma_start3A_52] : memref<2x512xi32, #tpu.memory_space<vmem>> -> memref<2x128xi32, #tpu.memory_space<vmem>>
    %dma_start3A_54 = arith.constant 0 : i32
    %dma_start3A_55 = tpu.memref_slice %arg3[%dma_start3A_54, %add3A_45] : memref<2x16384xi32, #tpu.memory_space<hbm>> -> memref<2x128xi32, #tpu.memory_space<hbm>>
    tpu.enqueue_dma source(%dma_start3A_55 : memref<2x128xi32, #tpu.memory_space<hbm>>) target(%dma_start3A_53 : memref<2x128xi32, #tpu.memory_space<vmem>>) target_semaphore(%arg16 : memref<!tpu.dma_semaphore, #tpu.memory_space<semaphore_mem>>)
    tpu.enqueue_dma source(%arg4 : memref<64xf32, #tpu.memory_space<hbm>>) target(%arg9 : memref<64xf32, #tpu.memory_space<vmem>>) target_semaphore(%arg12 : memref<!tpu.dma_semaphore, #tpu.memory_space<semaphore_mem>>)
    %dma_wait3A = arith.constant 0 : i32
    %dma_wait3A_56 = arith.constant 0 : i32
    %dma_wait3A_57 = tpu.memref_slice %arg6[%dma_wait3A, %dma_wait3A_56] : memref<2x512xi32, #tpu.memory_space<vmem>> -> memref<2x128xi32, #tpu.memory_space<vmem>>
    %dma_wait3A_58 = arith.constant 0 : i32
    %dma_wait3A_59 = tpu.memref_slice %arg3[%dma_wait3A_58, %add3A_4] : memref<2x16384xi32, #tpu.memory_space<hbm>> -> memref<2x128xi32, #tpu.memory_space<hbm>>
    %dma_wait3A_60 = arith.constant 0 : i32
    %dma_wait3A_61 = arith.constant 0 : i32
    %dma_wait3A_62 = tpu.memref_slice %arg6[%dma_wait3A_60, %dma_wait3A_61] : memref<2x512xi32, #tpu.memory_space<vmem>> -> memref<2x128xi32, #tpu.memory_space<vmem>>
    %dma_wait3A_63 = arith.constant 0 : i32
    %dma_wait3A_64 = tpu.memref_slice %arg3[%dma_wait3A_63, %add3A_4] : memref<2x16384xi32, #tpu.memory_space<hbm>> -> memref<2x128xi32, #tpu.memory_space<hbm>>
    tpu.wait_dma2 semaphore(%arg13 : memref<!tpu.dma_semaphore, #tpu.memory_space<semaphore_mem>>) src(%dma_wait3A_64 : memref<2x128xi32, #tpu.memory_space<hbm>>) dst(%dma_wait3A_62 : memref<2x128xi32, #tpu.memory_space<vmem>>)
    %scan3A = arith.constant 0 : i32
    %scan3A_65 = arith.constant 0 : i32
    %scan3A_66 = arith.constant 8 : i32
    %scan3A_67 = arith.addi %scan3A_65, %scan3A_66 : i32
    %scan3A_68 = arith.constant 1 : i32
    scf.for %scan3A_426 = %scan3A_65 to %scan3A_67 step %scan3A_68  : i32 {
      %mul3A_427 = arith.constant 16 : i32
      %mul3A_428 = arith.muli %scan3A_426, %mul3A_427 : i32
      %add3A_429 = arith.constant 0 : i32
      %add3A_430 = arith.addi %add3A_429, %mul3A_428 : i32
      %get3A_431 = arith.constant 1 : i32
      %get3A_432 = arith.index_cast %get3A_431 : i32 to index
      %get3A_433 = arith.index_cast %add3A_430 : i32 to index
      %get3A_434 = tpu.vector_load %arg6[%get3A_432, %get3A_433] {strides = array<i32>} : memref<2x512xi32, #tpu.memory_space<vmem>>, vector<16xi32>,
      %mul3A_435 = arith.constant 256 : i32
      %mul3A_436 = vector.broadcast %mul3A_435 : i32 to vector<16xi32>
      %mul3A_437 = arith.muli %get3A_434, %mul3A_436 : vector<16xi32>
      %get3A_438 = arith.constant 0 : i32
      %get3A_439 = arith.index_cast %get3A_438 : i32 to index
      %get3A_440 = arith.index_cast %add3A_430 : i32 to index
      %get3A_441 = tpu.vector_load %arg6[%get3A_439, %get3A_440] {strides = array<i32>} : memref<2x512xi32, #tpu.memory_space<vmem>>, vector<16xi32>,
      %add3A_442 = arith.addi %mul3A_437, %get3A_441 : vector<16xi32>
      %swap3A_443 = arith.index_cast %add3A_430 : i32 to index
      %swap3A_444 = tpu.vector_load %arg7[%swap3A_443] {strides = array<i32>} : memref<512xi32, #tpu.memory_space<vmem>>, vector<16xi32>,
      tpu.vector_store %arg7[%swap3A_443], %add3A_442 {strides = array<i32>} : memref<512xi32, #tpu.memory_space<vmem>>, vector<16xi32>,
    }
    %scan3A_69 = arith.constant 8 : i32
    %dma_start3A_70 = arith.constant 0 : i32
    %dma_start3A_71 = tpu.memref_slice %arg8[%dma_start3A_70] : memref<512xi32, #tpu.memory_space<vmem>> -> memref<128xi32, #tpu.memory_space<vmem>>
    %dma_start3A_72 = arith.constant 0 : i32
    %dma_start3A_73 = tpu.memref_slice %arg7[%dma_start3A_72] : memref<512xi32, #tpu.memory_space<vmem>> -> memref<128xi32, #tpu.memory_space<vmem>>
    %dma_start3A_74 = arith.constant 0 : i32
    %dma_start3A_75 = tpu.memref_slice %arg2[%dma_start3A_74] : memref<51200xi32, #tpu.memory_space<hbm>> -> memref<51200xi32, #tpu.memory_space<hbm>>
    tpu.enqueue_indirect_dma source(%dma_start3A_75 : memref<51200xi32, #tpu.memory_space<hbm>>) target(%dma_start3A_71 : memref<128xi32, #tpu.memory_space<vmem>>) offsets(%dma_start3A_73 : memref<128xi32, #tpu.memory_space<vmem>>) semaphore(%arg13 : memref<!tpu.dma_semaphore, #tpu.memory_space<semaphore_mem>>)
    %dma_wait3A_76 = arith.constant 0 : i32
    %dma_wait3A_77 = arith.constant 128 : i32
    %dma_wait3A_78 = tpu.memref_slice %arg6[%dma_wait3A_76, %dma_wait3A_77] : memref<2x512xi32, #tpu.memory_space<vmem>> -> memref<2x128xi32, #tpu.memory_space<vmem>>
    %dma_wait3A_79 = arith.constant 0 : i32
    %dma_wait3A_80 = tpu.memref_slice %arg3[%dma_wait3A_79, %add3A_17] : memref<2x16384xi32, #tpu.memory_space<hbm>> -> memref<2x128xi32, #tpu.memory_space<hbm>>
    %dma_wait3A_81 = arith.constant 0 : i32
    %dma_wait3A_82 = arith.constant 128 : i32
    %dma_wait3A_83 = tpu.memref_slice %arg6[%dma_wait3A_81, %dma_wait3A_82] : memref<2x512xi32, #tpu.memory_space<vmem>> -> memref<2x128xi32, #tpu.memory_space<vmem>>
    %dma_wait3A_84 = arith.constant 0 : i32
    %dma_wait3A_85 = tpu.memref_slice %arg3[%dma_wait3A_84, %add3A_17] : memref<2x16384xi32, #tpu.memory_space<hbm>> -> memref<2x128xi32, #tpu.memory_space<hbm>>
    tpu.wait_dma2 semaphore(%arg14 : memref<!tpu.dma_semaphore, #tpu.memory_space<semaphore_mem>>) src(%dma_wait3A_85 : memref<2x128xi32, #tpu.memory_space<hbm>>) dst(%dma_wait3A_83 : memref<2x128xi32, #tpu.memory_space<vmem>>)
    %scan3A_86 = arith.constant 0 : i32
    %scan3A_87 = arith.constant 0 : i32
    %scan3A_88 = arith.constant 8 : i32
    %scan3A_89 = arith.addi %scan3A_87, %scan3A_88 : i32
    %scan3A_90 = arith.constant 1 : i32
    scf.for %scan3A_426 = %scan3A_87 to %scan3A_89 step %scan3A_90  : i32 {
      %mul3A_427 = arith.constant 16 : i32
      %mul3A_428 = arith.muli %scan3A_426, %mul3A_427 : i32
      %add3A_429 = arith.constant 128 : i32
      %add3A_430 = arith.addi %add3A_429, %mul3A_428 : i32
      %get3A_431 = arith.constant 1 : i32
      %get3A_432 = arith.index_cast %get3A_431 : i32 to index
      %get3A_433 = arith.index_cast %add3A_430 : i32 to index
      %get3A_434 = tpu.vector_load %arg6[%get3A_432, %get3A_433] {strides = array<i32>} : memref<2x512xi32, #tpu.memory_space<vmem>>, vector<16xi32>,
      %mul3A_435 = arith.constant 256 : i32
      %mul3A_436 = vector.broadcast %mul3A_435 : i32 to vector<16xi32>
      %mul3A_437 = arith.muli %get3A_434, %mul3A_436 : vector<16xi32>
      %get3A_438 = arith.constant 0 : i32
      %get3A_439 = arith.index_cast %get3A_438 : i32 to index
      %get3A_440 = arith.index_cast %add3A_430 : i32 to index
      %get3A_441 = tpu.vector_load %arg6[%get3A_439, %get3A_440] {strides = array<i32>} : memref<2x512xi32, #tpu.memory_space<vmem>>, vector<16xi32>,
      %add3A_442 = arith.addi %mul3A_437, %get3A_441 : vector<16xi32>
      %swap3A_443 = arith.index_cast %add3A_430 : i32 to index
      %swap3A_444 = tpu.vector_load %arg7[%swap3A_443] {strides = array<i32>} : memref<512xi32, #tpu.memory_space<vmem>>, vector<16xi32>,
      tpu.vector_store %arg7[%swap3A_443], %add3A_442 {strides = array<i32>} : memref<512xi32, #tpu.memory_space<vmem>>, vector<16xi32>,
    }
    %scan3A_91 = arith.constant 8 : i32
    %dma_start3A_92 = arith.constant 128 : i32
    %dma_start3A_93 = tpu.memref_slice %arg8[%dma_start3A_92] : memref<512xi32, #tpu.memory_space<vmem>> -> memref<128xi32, #tpu.memory_space<vmem>>
    %dma_start3A_94 = arith.constant 128 : i32
    %dma_start3A_95 = tpu.memref_slice %arg7[%dma_start3A_94] : memref<512xi32, #tpu.memory_space<vmem>> -> memref<128xi32, #tpu.memory_space<vmem>>
    %dma_start3A_96 = arith.constant 0 : i32
    %dma_start3A_97 = tpu.memref_slice %arg2[%dma_start3A_96] : memref<51200xi32, #tpu.memory_space<hbm>> -> memref<51200xi32, #tpu.memory_space<hbm>>
    tpu.enqueue_indirect_dma source(%dma_start3A_97 : memref<51200xi32, #tpu.memory_space<hbm>>) target(%dma_start3A_93 : memref<128xi32, #tpu.memory_space<vmem>>) offsets(%dma_start3A_95 : memref<128xi32, #tpu.memory_space<vmem>>) semaphore(%arg14 : memref<!tpu.dma_semaphore, #tpu.memory_space<semaphore_mem>>)
    %dma_wait3A_98 = arith.constant 0 : i32
    %dma_wait3A_99 = arith.constant 256 : i32
    %dma_wait3A_100 = tpu.memref_slice %arg6[%dma_wait3A_98, %dma_wait3A_99] : memref<2x512xi32, #tpu.memory_space<vmem>> -> memref<2x128xi32, #tpu.memory_space<vmem>>
    %dma_wait3A_101 = arith.constant 0 : i32
    %dma_wait3A_102 = tpu.memref_slice %arg3[%dma_wait3A_101, %add3A_31] : memref<2x16384xi32, #tpu.memory_space<hbm>> -> memref<2x128xi32, #tpu.memory_space<hbm>>
    %dma_wait3A_103 = arith.constant 0 : i32
    %dma_wait3A_104 = arith.constant 256 : i32
    %dma_wait3A_105 = tpu.memref_slice %arg6[%dma_wait3A_103, %dma_wait3A_104] : memref<2x512xi32, #tpu.memory_space<vmem>> -> memref<2x128xi32, #tpu.memory_space<vmem>>
    %dma_wait3A_106 = arith.constant 0 : i32
    %dma_wait3A_107 = tpu.memref_slice %arg3[%dma_wait3A_106, %add3A_31] : memref<2x16384xi32, #tpu.memory_space<hbm>> -> memref<2x128xi32, #tpu.memory_space<hbm>>
    tpu.wait_dma2 semaphore(%arg15 : memref<!tpu.dma_semaphore, #tpu.memory_space<semaphore_mem>>) src(%dma_wait3A_107 : memref<2x128xi32, #tpu.memory_space<hbm>>) dst(%dma_wait3A_105 : memref<2x128xi32, #tpu.memory_space<vmem>>)
    %scan3A_108 = arith.constant 0 : i32
    %scan3A_109 = arith.constant 0 : i32
    %scan3A_110 = arith.constant 8 : i32
    %scan3A_111 = arith.addi %scan3A_109, %scan3A_110 : i32
    %scan3A_112 = arith.constant 1 : i32
    scf.for %scan3A_426 = %scan3A_109 to %scan3A_111 step %scan3A_112  : i32 {
      %mul3A_427 = arith.constant 16 : i32
      %mul3A_428 = arith.muli %scan3A_426, %mul3A_427 : i32
      %add3A_429 = arith.constant 256 : i32
      %add3A_430 = arith.addi %add3A_429, %mul3A_428 : i32
      %get3A_431 = arith.constant 1 : i32
      %get3A_432 = arith.index_cast %get3A_431 : i32 to index
      %get3A_433 = arith.index_cast %add3A_430 : i32 to index
      %get3A_434 = tpu.vector_load %arg6[%get3A_432, %get3A_433] {strides = array<i32>} : memref<2x512xi32, #tpu.memory_space<vmem>>, vector<16xi32>,
      %mul3A_435 = arith.constant 256 : i32
      %mul3A_436 = vector.broadcast %mul3A_435 : i32 to vector<16xi32>
      %mul3A_437 = arith.muli %get3A_434, %mul3A_436 : vector<16xi32>
      %get3A_438 = arith.constant 0 : i32
      %get3A_439 = arith.index_cast %get3A_438 : i32 to index
      %get3A_440 = arith.index_cast %add3A_430 : i32 to index
      %get3A_441 = tpu.vector_load %arg6[%get3A_439, %get3A_440] {strides = array<i32>} : memref<2x512xi32, #tpu.memory_space<vmem>>, vector<16xi32>,
      %add3A_442 = arith.addi %mul3A_437, %get3A_441 : vector<16xi32>
      %swap3A_443 = arith.index_cast %add3A_430 : i32 to index
      %swap3A_444 = tpu.vector_load %arg7[%swap3A_443] {strides = array<i32>} : memref<512xi32, #tpu.memory_space<vmem>>, vector<16xi32>,
      tpu.vector_store %arg7[%swap3A_443], %add3A_442 {strides = array<i32>} : memref<512xi32, #tpu.memory_space<vmem>>, vector<16xi32>,
    }
    %scan3A_113 = arith.constant 8 : i32
    %dma_start3A_114 = arith.constant 256 : i32
    %dma_start3A_115 = tpu.memref_slice %arg8[%dma_start3A_114] : memref<512xi32, #tpu.memory_space<vmem>> -> memref<128xi32, #tpu.memory_space<vmem>>
    %dma_start3A_116 = arith.constant 256 : i32
    %dma_start3A_117 = tpu.memref_slice %arg7[%dma_start3A_116] : memref<512xi32, #tpu.memory_space<vmem>> -> memref<128xi32, #tpu.memory_space<vmem>>
    %dma_start3A_118 = arith.constant 0 : i32
    %dma_start3A_119 = tpu.memref_slice %arg2[%dma_start3A_118] : memref<51200xi32, #tpu.memory_space<hbm>> -> memref<51200xi32, #tpu.memory_space<hbm>>
    tpu.enqueue_indirect_dma source(%dma_start3A_119 : memref<51200xi32, #tpu.memory_space<hbm>>) target(%dma_start3A_115 : memref<128xi32, #tpu.memory_space<vmem>>) offsets(%dma_start3A_117 : memref<128xi32, #tpu.memory_space<vmem>>) semaphore(%arg15 : memref<!tpu.dma_semaphore, #tpu.memory_space<semaphore_mem>>)
    %dma_wait3A_120 = arith.constant 0 : i32
    %dma_wait3A_121 = arith.constant 384 : i32
    %dma_wait3A_122 = tpu.memref_slice %arg6[%dma_wait3A_120, %dma_wait3A_121] : memref<2x512xi32, #tpu.memory_space<vmem>> -> memref<2x128xi32, #tpu.memory_space<vmem>>
    %dma_wait3A_123 = arith.constant 0 : i32
    %dma_wait3A_124 = tpu.memref_slice %arg3[%dma_wait3A_123, %add3A_45] : memref<2x16384xi32, #tpu.memory_space<hbm>> -> memref<2x128xi32, #tpu.memory_space<hbm>>
    %dma_wait3A_125 = arith.constant 0 : i32
    %dma_wait3A_126 = arith.constant 384 : i32
    %dma_wait3A_127 = tpu.memref_slice %arg6[%dma_wait3A_125, %dma_wait3A_126] : memref<2x512xi32, #tpu.memory_space<vmem>> -> memref<2x128xi32, #tpu.memory_space<vmem>>
    %dma_wait3A_128 = arith.constant 0 : i32
    %dma_wait3A_129 = tpu.memref_slice %arg3[%dma_wait3A_128, %add3A_45] : memref<2x16384xi32, #tpu.memory_space<hbm>> -> memref<2x128xi32, #tpu.memory_space<hbm>>
    tpu.wait_dma2 semaphore(%arg16 : memref<!tpu.dma_semaphore, #tpu.memory_space<semaphore_mem>>) src(%dma_wait3A_129 : memref<2x128xi32, #tpu.memory_space<hbm>>) dst(%dma_wait3A_127 : memref<2x128xi32, #tpu.memory_space<vmem>>)
    %scan3A_130 = arith.constant 0 : i32
    %scan3A_131 = arith.constant 0 : i32
    %scan3A_132 = arith.constant 8 : i32
    %scan3A_133 = arith.addi %scan3A_131, %scan3A_132 : i32
    %scan3A_134 = arith.constant 1 : i32
    scf.for %scan3A_426 = %scan3A_131 to %scan3A_133 step %scan3A_134  : i32 {
      %mul3A_427 = arith.constant 16 : i32
      %mul3A_428 = arith.muli %scan3A_426, %mul3A_427 : i32
      %add3A_429 = arith.constant 384 : i32
      %add3A_430 = arith.addi %add3A_429, %mul3A_428 : i32
      %get3A_431 = arith.constant 1 : i32
      %get3A_432 = arith.index_cast %get3A_431 : i32 to index
      %get3A_433 = arith.index_cast %add3A_430 : i32 to index
      %get3A_434 = tpu.vector_load %arg6[%get3A_432, %get3A_433] {strides = array<i32>} : memref<2x512xi32, #tpu.memory_space<vmem>>, vector<16xi32>,
      %mul3A_435 = arith.constant 256 : i32
      %mul3A_436 = vector.broadcast %mul3A_435 : i32 to vector<16xi32>
      %mul3A_437 = arith.muli %get3A_434, %mul3A_436 : vector<16xi32>
      %get3A_438 = arith.constant 0 : i32
      %get3A_439 = arith.index_cast %get3A_438 : i32 to index
      %get3A_440 = arith.index_cast %add3A_430 : i32 to index
      %get3A_441 = tpu.vector_load %arg6[%get3A_439, %get3A_440] {strides = array<i32>} : memref<2x512xi32, #tpu.memory_space<vmem>>, vector<16xi32>,
      %add3A_442 = arith.addi %mul3A_437, %get3A_441 : vector<16xi32>
      %swap3A_443 = arith.index_cast %add3A_430 : i32 to index
      %swap3A_444 = tpu.vector_load %arg7[%swap3A_443] {strides = array<i32>} : memref<512xi32, #tpu.memory_space<vmem>>, vector<16xi32>,
      tpu.vector_store %arg7[%swap3A_443], %add3A_442 {strides = array<i32>} : memref<512xi32, #tpu.memory_space<vmem>>, vector<16xi32>,
    }
    %scan3A_135 = arith.constant 8 : i32
    %dma_start3A_136 = arith.constant 384 : i32
    %dma_start3A_137 = tpu.memref_slice %arg8[%dma_start3A_136] : memref<512xi32, #tpu.memory_space<vmem>> -> memref<128xi32, #tpu.memory_space<vmem>>
    %dma_start3A_138 = arith.constant 384 : i32
    %dma_start3A_139 = tpu.memref_slice %arg7[%dma_start3A_138] : memref<512xi32, #tpu.memory_space<vmem>> -> memref<128xi32, #tpu.memory_space<vmem>>
    %dma_start3A_140 = arith.constant 0 : i32
    %dma_start3A_141 = tpu.memref_slice %arg2[%dma_start3A_140] : memref<51200xi32, #tpu.memory_space<hbm>> -> memref<51200xi32, #tpu.memory_space<hbm>>
    tpu.enqueue_indirect_dma source(%dma_start3A_141 : memref<51200xi32, #tpu.memory_space<hbm>>) target(%dma_start3A_137 : memref<128xi32, #tpu.memory_space<vmem>>) offsets(%dma_start3A_139 : memref<128xi32, #tpu.memory_space<vmem>>) semaphore(%arg16 : memref<!tpu.dma_semaphore, #tpu.memory_space<semaphore_mem>>)
    tpu.wait_dma2 semaphore(%arg12 : memref<!tpu.dma_semaphore, #tpu.memory_space<semaphore_mem>>) src(%arg4 : memref<64xf32, #tpu.memory_space<hbm>>) dst(%arg9 : memref<64xf32, #tpu.memory_space<vmem>>)
    %get3A = arith.constant 0 : index
    %get3A_142 = tpu.vector_load %arg9[%get3A] {strides = array<i32>} : memref<64xf32, #tpu.memory_space<vmem>>, vector<16xf32>,
    %get3A_143 = arith.constant 16 : index
    %get3A_144 = tpu.vector_load %arg9[%get3A_143] {strides = array<i32>} : memref<64xf32, #tpu.memory_space<vmem>>, vector<16xf32>,
    %get3A_145 = arith.constant 32 : index
    %get3A_146 = tpu.vector_load %arg9[%get3A_145] {strides = array<i32>} : memref<64xf32, #tpu.memory_space<vmem>>, vector<16xf32>,
    %get3A_147 = arith.constant 48 : index
    %get3A_148 = tpu.vector_load %arg9[%get3A_147] {strides = array<i32>} : memref<64xf32, #tpu.memory_space<vmem>>, vector<16xf32>,
    %max3A = arith.maximumf %get3A_142, %get3A_144 : vector<16xf32>
    %max3A_149 = arith.maximumf %max3A, %get3A_146 : vector<16xf32>
    %max3A_150 = arith.maximumf %max3A_149, %get3A_148 : vector<16xf32>
    %xor3A = arith.constant 8 : i32
    %xor3A_151 = vector.broadcast %xor3A : i32 to vector<16xi32>
    %xor3A_152 = arith.xori %iota3A, %xor3A_151 : vector<16xi32>
    %lt3A = arith.constant 0 : i32
    %lt3A_153 = vector.broadcast %lt3A : i32 to vector<16xi32>
    %lt3A_154 = arith.cmpi slt, %xor3A_152, %lt3A_153 : vector<16xi32>
    %add3A_155 = arith.constant 16 : i32
    %add3A_156 = vector.broadcast %add3A_155 : i32 to vector<16xi32>
    %add3A_157 = arith.addi %xor3A_152, %add3A_156 : vector<16xi32>
    %select_n3A = arith.select %lt3A_154, %add3A_157, %xor3A_152 : vector<16xi1>, vector<16xi32>
    %broadcast_in_dim3A = vector.shape_cast %select_n3A : vector<16xi32> to vector<16x1xi32>
    %gather3A = vector.shape_cast %broadcast_in_dim3A : vector<16x1xi32> to vector<16xi32>
    %gather3A_158 = tpu.dynamic_gather %max3A_150[%gather3A] in [0] : vector<16xf32>, vector<16xi32> -> vector<16xf32>
    %max3A_159 = arith.maximumf %max3A_150, %gather3A_158 : vector<16xf32>
    %xor3A_160 = arith.constant 4 : i32
    %xor3A_161 = vector.broadcast %xor3A_160 : i32 to vector<16xi32>
    %xor3A_162 = arith.xori %iota3A, %xor3A_161 : vector<16xi32>
    %lt3A_163 = arith.constant 0 : i32
    %lt3A_164 = vector.broadcast %lt3A_163 : i32 to vector<16xi32>
    %lt3A_165 = arith.cmpi slt, %xor3A_162, %lt3A_164 : vector<16xi32>
    %add3A_166 = arith.constant 16 : i32
    %add3A_167 = vector.broadcast %add3A_166 : i32 to vector<16xi32>
    %add3A_168 = arith.addi %xor3A_162, %add3A_167 : vector<16xi32>
    %select_n3A_169 = arith.select %lt3A_165, %add3A_168, %xor3A_162 : vector<16xi1>, vector<16xi32>
    %broadcast_in_dim3A_170 = vector.shape_cast %select_n3A_169 : vector<16xi32> to vector<16x1xi32>
    %gather3A_171 = vector.shape_cast %broadcast_in_dim3A_170 : vector<16x1xi32> to vector<16xi32>
    %gather3A_172 = tpu.dynamic_gather %max3A_159[%gather3A_171] in [0] : vector<16xf32>, vector<16xi32> -> vector<16xf32>
    %max3A_173 = arith.maximumf %max3A_159, %gather3A_172 : vector<16xf32>
    %xor3A_174 = arith.constant 2 : i32
    %xor3A_175 = vector.broadcast %xor3A_174 : i32 to vector<16xi32>
    %xor3A_176 = arith.xori %iota3A, %xor3A_175 : vector<16xi32>
    %lt3A_177 = arith.constant 0 : i32
    %lt3A_178 = vector.broadcast %lt3A_177 : i32 to vector<16xi32>
    %lt3A_179 = arith.cmpi slt, %xor3A_176, %lt3A_178 : vector<16xi32>
    %add3A_180 = arith.constant 16 : i32
    %add3A_181 = vector.broadcast %add3A_180 : i32 to vector<16xi32>
    %add3A_182 = arith.addi %xor3A_176, %add3A_181 : vector<16xi32>
    %select_n3A_183 = arith.select %lt3A_179, %add3A_182, %xor3A_176 : vector<16xi1>, vector<16xi32>
    %broadcast_in_dim3A_184 = vector.shape_cast %select_n3A_183 : vector<16xi32> to vector<16x1xi32>
    %gather3A_185 = vector.shape_cast %broadcast_in_dim3A_184 : vector<16x1xi32> to vector<16xi32>
    %gather3A_186 = tpu.dynamic_gather %max3A_173[%gather3A_185] in [0] : vector<16xf32>, vector<16xi32> -> vector<16xf32>
    %max3A_187 = arith.maximumf %max3A_173, %gather3A_186 : vector<16xf32>
    %xor3A_188 = arith.constant 1 : i32
    %xor3A_189 = vector.broadcast %xor3A_188 : i32 to vector<16xi32>
    %xor3A_190 = arith.xori %iota3A, %xor3A_189 : vector<16xi32>
    %lt3A_191 = arith.constant 0 : i32
    %lt3A_192 = vector.broadcast %lt3A_191 : i32 to vector<16xi32>
    %lt3A_193 = arith.cmpi slt, %xor3A_190, %lt3A_192 : vector<16xi32>
    %add3A_194 = arith.constant 16 : i32
    %add3A_195 = vector.broadcast %add3A_194 : i32 to vector<16xi32>
    %add3A_196 = arith.addi %xor3A_190, %add3A_195 : vector<16xi32>
    %select_n3A_197 = arith.select %lt3A_193, %add3A_196, %xor3A_190 : vector<16xi1>, vector<16xi32>
    %broadcast_in_dim3A_198 = vector.shape_cast %select_n3A_197 : vector<16xi32> to vector<16x1xi32>
    %gather3A_199 = vector.shape_cast %broadcast_in_dim3A_198 : vector<16x1xi32> to vector<16xi32>
    %gather3A_200 = tpu.dynamic_gather %max3A_187[%gather3A_199] in [0] : vector<16xf32>, vector<16xi32> -> vector<16xf32>
    %max3A_201 = arith.maximumf %max3A_187, %gather3A_200 : vector<16xf32>
    %sub3A = arith.subf %get3A_142, %max3A_201 : vector<16xf32>
    %exp3A = math.exp %sub3A : vector<16xf32>
    %sub3A_202 = arith.subf %get3A_144, %max3A_201 : vector<16xf32>
    %exp3A_203 = math.exp %sub3A_202 : vector<16xf32>
    %add3A_204 = arith.addf %exp3A, %exp3A_203 : vector<16xf32>
    %sub3A_205 = arith.subf %get3A_146, %max3A_201 : vector<16xf32>
    %exp3A_206 = math.exp %sub3A_205 : vector<16xf32>
    %add3A_207 = arith.addf %add3A_204, %exp3A_206 : vector<16xf32>
    %sub3A_208 = arith.subf %get3A_148, %max3A_201 : vector<16xf32>
    %exp3A_209 = math.exp %sub3A_208 : vector<16xf32>
    %add3A_210 = arith.addf %add3A_207, %exp3A_209 : vector<16xf32>
    %xor3A_211 = arith.constant 8 : i32
    %xor3A_212 = vector.broadcast %xor3A_211 : i32 to vector<16xi32>
    %xor3A_213 = arith.xori %iota3A, %xor3A_212 : vector<16xi32>
    %lt3A_214 = arith.constant 0 : i32
    %lt3A_215 = vector.broadcast %lt3A_214 : i32 to vector<16xi32>
    %lt3A_216 = arith.cmpi slt, %xor3A_213, %lt3A_215 : vector<16xi32>
    %add3A_217 = arith.constant 16 : i32
    %add3A_218 = vector.broadcast %add3A_217 : i32 to vector<16xi32>
    %add3A_219 = arith.addi %xor3A_213, %add3A_218 : vector<16xi32>
    %select_n3A_220 = arith.select %lt3A_216, %add3A_219, %xor3A_213 : vector<16xi1>, vector<16xi32>
    %broadcast_in_dim3A_221 = vector.shape_cast %select_n3A_220 : vector<16xi32> to vector<16x1xi32>
    %gather3A_222 = vector.shape_cast %broadcast_in_dim3A_221 : vector<16x1xi32> to vector<16xi32>
    %gather3A_223 = tpu.dynamic_gather %add3A_210[%gather3A_222] in [0] : vector<16xf32>, vector<16xi32> -> vector<16xf32>
    %add3A_224 = arith.addf %add3A_210, %gather3A_223 : vector<16xf32>
    %xor3A_225 = arith.constant 4 : i32
    %xor3A_226 = vector.broadcast %xor3A_225 : i32 to vector<16xi32>
    %xor3A_227 = arith.xori %iota3A, %xor3A_226 : vector<16xi32>
    %lt3A_228 = arith.constant 0 : i32
    %lt3A_229 = vector.broadcast %lt3A_228 : i32 to vector<16xi32>
    %lt3A_230 = arith.cmpi slt, %xor3A_227, %lt3A_229 : vector<16xi32>
    %add3A_231 = arith.constant 16 : i32
    %add3A_232 = vector.broadcast %add3A_231 : i32 to vector<16xi32>
    %add3A_233 = arith.addi %xor3A_227, %add3A_232 : vector<16xi32>
    %select_n3A_234 = arith.select %lt3A_230, %add3A_233, %xor3A_227 : vector<16xi1>, vector<16xi32>
    %broadcast_in_dim3A_235 = vector.shape_cast %select_n3A_234 : vector<16xi32> to vector<16x1xi32>
    %gather3A_236 = vector.shape_cast %broadcast_in_dim3A_235 : vector<16x1xi32> to vector<16xi32>
    %gather3A_237 = tpu.dynamic_gather %add3A_224[%gather3A_236] in [0] : vector<16xf32>, vector<16xi32> -> vector<16xf32>
    %add3A_238 = arith.addf %add3A_224, %gather3A_237 : vector<16xf32>
    %xor3A_239 = arith.constant 2 : i32
    %xor3A_240 = vector.broadcast %xor3A_239 : i32 to vector<16xi32>
    %xor3A_241 = arith.xori %iota3A, %xor3A_240 : vector<16xi32>
    %lt3A_242 = arith.constant 0 : i32
    %lt3A_243 = vector.broadcast %lt3A_242 : i32 to vector<16xi32>
    %lt3A_244 = arith.cmpi slt, %xor3A_241, %lt3A_243 : vector<16xi32>
    %add3A_245 = arith.constant 16 : i32
    %add3A_246 = vector.broadcast %add3A_245 : i32 to vector<16xi32>
    %add3A_247 = arith.addi %xor3A_241, %add3A_246 : vector<16xi32>
    %select_n3A_248 = arith.select %lt3A_244, %add3A_247, %xor3A_241 : vector<16xi1>, vector<16xi32>
    %broadcast_in_dim3A_249 = vector.shape_cast %select_n3A_248 : vector<16xi32> to vector<16x1xi32>
    %gather3A_250 = vector.shape_cast %broadcast_in_dim3A_249 : vector<16x1xi32> to vector<16xi32>
    %gather3A_251 = tpu.dynamic_gather %add3A_238[%gather3A_250] in [0] : vector<16xf32>, vector<16xi32> -> vector<16xf32>
    %add3A_252 = arith.addf %add3A_238, %gather3A_251 : vector<16xf32>
    %xor3A_253 = arith.constant 1 : i32
    %xor3A_254 = vector.broadcast %xor3A_253 : i32 to vector<16xi32>
    %xor3A_255 = arith.xori %iota3A, %xor3A_254 : vector<16xi32>
    %lt3A_256 = arith.constant 0 : i32
    %lt3A_257 = vector.broadcast %lt3A_256 : i32 to vector<16xi32>
    %lt3A_258 = arith.cmpi slt, %xor3A_255, %lt3A_257 : vector<16xi32>
    %add3A_259 = arith.constant 16 : i32
    %add3A_260 = vector.broadcast %add3A_259 : i32 to vector<16xi32>
    %add3A_261 = arith.addi %xor3A_255, %add3A_260 : vector<16xi32>
    %select_n3A_262 = arith.select %lt3A_258, %add3A_261, %xor3A_255 : vector<16xi1>, vector<16xi32>
    %broadcast_in_dim3A_263 = vector.shape_cast %select_n3A_262 : vector<16xi32> to vector<16x1xi32>
    %gather3A_264 = vector.shape_cast %broadcast_in_dim3A_263 : vector<16x1xi32> to vector<16xi32>
    %gather3A_265 = tpu.dynamic_gather %add3A_252[%gather3A_264] in [0] : vector<16xf32>, vector<16xi32> -> vector<16xf32>
    %add3A_266 = arith.addf %add3A_252, %gather3A_265 : vector<16xf32>
    %bitcast_convert_type3A = tpu.bitcast %add3A_266 : vector<16xf32> -> vector<16xi32>
    %convert_element_type3A = arith.sitofp %bitcast_convert_type3A : vector<16xi32> to vector<16xf32>
    %mul3A_267 = arith.constant 1.1920929E-7 : f32
    %mul3A_268 = vector.broadcast %mul3A_267 : f32 to vector<16xf32>
    %mul3A_269 = arith.mulf %convert_element_type3A, %mul3A_268 : vector<16xf32>
    %sub3A_270 = arith.constant 1.270000e+02 : f32
    %sub3A_271 = vector.broadcast %sub3A_270 : f32 to vector<16xf32>
    %sub3A_272 = arith.subf %mul3A_269, %sub3A_271 : vector<16xf32>
    %mul3A_273 = arith.constant 0.693147182 : f32
    %mul3A_274 = vector.broadcast %mul3A_273 : f32 to vector<16xf32>
    %mul3A_275 = arith.mulf %sub3A_272, %mul3A_274 : vector<16xf32>
    %sub3A_276 = arith.constant 1.000000e+00 : f32
    %sub3A_277 = vector.broadcast %sub3A_276 : f32 to vector<16xf32>
    %sub3A_278 = arith.subf %mul3A_275, %sub3A_277 : vector<16xf32>
    %neg3A = arith.constant 0.000000e+00 : f32
    %neg3A_279 = vector.broadcast %neg3A : f32 to vector<16xf32>
    %neg3A_280 = arith.subf %neg3A_279, %mul3A_275 : vector<16xf32>
    %exp3A_281 = math.exp %neg3A_280 : vector<16xf32>
    %mul3A_282 = arith.mulf %add3A_266, %exp3A_281 : vector<16xf32>
    %add3A_283 = arith.addf %sub3A_278, %mul3A_282 : vector<16xf32>
    %sub3A_284 = arith.constant 1.000000e+00 : f32
    %sub3A_285 = vector.broadcast %sub3A_284 : f32 to vector<16xf32>
    %sub3A_286 = arith.subf %add3A_283, %sub3A_285 : vector<16xf32>
    %neg3A_287 = arith.constant 0.000000e+00 : f32
    %neg3A_288 = vector.broadcast %neg3A_287 : f32 to vector<16xf32>
    %neg3A_289 = arith.subf %neg3A_288, %add3A_283 : vector<16xf32>
    %exp3A_290 = math.exp %neg3A_289 : vector<16xf32>
    %mul3A_291 = arith.mulf %add3A_266, %exp3A_290 : vector<16xf32>
    %add3A_292 = arith.addf %sub3A_286, %mul3A_291 : vector<16xf32>
    %sub3A_293 = arith.constant 1.000000e+00 : f32
    %sub3A_294 = vector.broadcast %sub3A_293 : f32 to vector<16xf32>
    %sub3A_295 = arith.subf %add3A_292, %sub3A_294 : vector<16xf32>
    %neg3A_296 = arith.constant 0.000000e+00 : f32
    %neg3A_297 = vector.broadcast %neg3A_296 : f32 to vector<16xf32>
    %neg3A_298 = arith.subf %neg3A_297, %add3A_292 : vector<16xf32>
    %exp3A_299 = math.exp %neg3A_298 : vector<16xf32>
    %mul3A_300 = arith.mulf %add3A_266, %exp3A_299 : vector<16xf32>
    %add3A_301 = arith.addf %sub3A_295, %mul3A_300 : vector<16xf32>
    %add3A_302 = arith.addf %max3A_201, %add3A_301 : vector<16xf32>
    %sub3A_303 = arith.subf %get3A_142, %add3A_302 : vector<16xf32>
    %swap3A = arith.constant 0 : index
    %swap3A_304 = tpu.vector_load %arg10[%swap3A] {strides = array<i32>} : memref<64xf32, #tpu.memory_space<vmem>>, vector<16xf32>,
    tpu.vector_store %arg10[%swap3A], %sub3A_303 {strides = array<i32>} : memref<64xf32, #tpu.memory_space<vmem>>, vector<16xf32>,
    %sub3A_305 = arith.subf %get3A_144, %add3A_302 : vector<16xf32>
    %swap3A_306 = arith.constant 16 : index
    %swap3A_307 = tpu.vector_load %arg10[%swap3A_306] {strides = array<i32>} : memref<64xf32, #tpu.memory_space<vmem>>, vector<16xf32>,
    tpu.vector_store %arg10[%swap3A_306], %sub3A_305 {strides = array<i32>} : memref<64xf32, #tpu.memory_space<vmem>>, vector<16xf32>,
    %sub3A_308 = arith.subf %get3A_146, %add3A_302 : vector<16xf32>
    %swap3A_309 = arith.constant 32 : index
    %swap3A_310 = tpu.vector_load %arg10[%swap3A_309] {strides = array<i32>} : memref<64xf32, #tpu.memory_space<vmem>>, vector<16xf32>,
    tpu.vector_store %arg10[%swap3A_309], %sub3A_308 {strides = array<i32>} : memref<64xf32, #tpu.memory_space<vmem>>, vector<16xf32>,
    %sub3A_311 = arith.subf %get3A_148, %add3A_302 : vector<16xf32>
    %swap3A_312 = arith.constant 48 : index
    %swap3A_313 = tpu.vector_load %arg10[%swap3A_312] {strides = array<i32>} : memref<64xf32, #tpu.memory_space<vmem>>, vector<16xf32>,
    tpu.vector_store %arg10[%swap3A_312], %sub3A_311 {strides = array<i32>} : memref<64xf32, #tpu.memory_space<vmem>>, vector<16xf32>,
    %dma_wait3A_314 = arith.constant 0 : i32
    %dma_wait3A_315 = tpu.memref_slice %arg8[%dma_wait3A_314] : memref<512xi32, #tpu.memory_space<vmem>> -> memref<128xi32, #tpu.memory_space<vmem>>
    %dma_wait3A_316 = arith.constant 0 : i32
    %dma_wait3A_317 = tpu.memref_slice %arg7[%dma_wait3A_316] : memref<512xi32, #tpu.memory_space<vmem>> -> memref<128xi32, #tpu.memory_space<vmem>>
    %dma_wait3A_318 = arith.constant 0 : i32
    %dma_wait3A_319 = tpu.memref_slice %arg2[%dma_wait3A_318] : memref<51200xi32, #tpu.memory_space<hbm>> -> memref<51200xi32, #tpu.memory_space<hbm>>
    tpu.wait_indirect_dma semaphore(%arg13 : memref<!tpu.dma_semaphore, #tpu.memory_space<semaphore_mem>>) src(%dma_wait3A_319 : memref<51200xi32, #tpu.memory_space<hbm>>) dst(%dma_wait3A_315 : memref<128xi32, #tpu.memory_space<vmem>>)
    %scan3A_320 = arith.constant 0 : i32
    %scan3A_321 = arith.constant 0 : i32
    %scan3A_322 = arith.constant 8 : i32
    %scan3A_323 = arith.addi %scan3A_321, %scan3A_322 : i32
    %scan3A_324 = arith.constant 1 : i32
    scf.for %scan3A_426 = %scan3A_321 to %scan3A_323 step %scan3A_324  : i32 {
      %mul3A_427 = arith.constant 16 : i32
      %mul3A_428 = arith.muli %scan3A_426, %mul3A_427 : i32
      %add3A_429 = arith.constant 0 : i32
      %add3A_430 = arith.addi %add3A_429, %mul3A_428 : i32
      %get3A_431 = arith.index_cast %add3A_430 : i32 to index
      %get3A_432 = tpu.vector_load %arg8[%get3A_431] {strides = array<i32>} : memref<512xi32, #tpu.memory_space<vmem>>, vector<16xi32>,
      %gather3A_433 = tpu.vector_load_idx %arg10[%get3A_432] : memref<64xf32, #tpu.memory_space<vmem>>[vector<16xi32>], vector<16xf32>,
      %swap3A_434 = arith.index_cast %add3A_430 : i32 to index
      %swap3A_435 = tpu.vector_load %arg11[%swap3A_434] {strides = array<i32>} : memref<512xf32, #tpu.memory_space<vmem>>, vector<16xf32>,
      tpu.vector_store %arg11[%swap3A_434], %gather3A_433 {strides = array<i32>} : memref<512xf32, #tpu.memory_space<vmem>>, vector<16xf32>,
    }
    %scan3A_325 = arith.constant 8 : i32
    %mul3A_326 = arith.constant 512 : i32
    %mul3A_327 = arith.muli %add3A, %mul3A_326 : i32
    %add3A_328 = arith.constant 0 : i32
    %add3A_329 = arith.addi %mul3A_327, %add3A_328 : i32
    %dma_start3A_330 = arith.constant 0 : i32
    %dma_start3A_331 = tpu.memref_slice %arg11[%dma_start3A_330] : memref<512xf32, #tpu.memory_space<vmem>> -> memref<128xf32, #tpu.memory_space<vmem>>
    %dma_start3A_332 = tpu.memref_slice %arg5[%add3A_329] : memref<16384xf32, #tpu.memory_space<hbm>> -> memref<128xf32, #tpu.memory_space<hbm>>
    %dma_start3A_333 = tpu.memref_slice %arg5[%add3A_329] : memref<16384xf32, #tpu.memory_space<hbm>> -> memref<128xf32, #tpu.memory_space<hbm>>
    %dma_start3A_334 = arith.constant 0 : i32
    %dma_start3A_335 = tpu.memref_slice %arg11[%dma_start3A_334] : memref<512xf32, #tpu.memory_space<vmem>> -> memref<128xf32, #tpu.memory_space<vmem>>
    tpu.enqueue_dma source(%dma_start3A_335 : memref<128xf32, #tpu.memory_space<vmem>>) target(%dma_start3A_333 : memref<128xf32, #tpu.memory_space<hbm>>) target_semaphore(%arg12 : memref<!tpu.dma_semaphore, #tpu.memory_space<semaphore_mem>>)
    %dma_wait3A_336 = arith.constant 128 : i32
    %dma_wait3A_337 = tpu.memref_slice %arg8[%dma_wait3A_336] : memref<512xi32, #tpu.memory_space<vmem>> -> memref<128xi32, #tpu.memory_space<vmem>>
    %dma_wait3A_338 = arith.constant 128 : i32
    %dma_wait3A_339 = tpu.memref_slice %arg7[%dma_wait3A_338] : memref<512xi32, #tpu.memory_space<vmem>> -> memref<128xi32, #tpu.memory_space<vmem>>
    %dma_wait3A_340 = arith.constant 0 : i32
    %dma_wait3A_341 = tpu.memref_slice %arg2[%dma_wait3A_340] : memref<51200xi32, #tpu.memory_space<hbm>> -> memref<51200xi32, #tpu.memory_space<hbm>>
    tpu.wait_indirect_dma semaphore(%arg14 : memref<!tpu.dma_semaphore, #tpu.memory_space<semaphore_mem>>) src(%dma_wait3A_341 : memref<51200xi32, #tpu.memory_space<hbm>>) dst(%dma_wait3A_337 : memref<128xi32, #tpu.memory_space<vmem>>)
    %scan3A_342 = arith.constant 0 : i32
    %scan3A_343 = arith.constant 0 : i32
    %scan3A_344 = arith.constant 8 : i32
    %scan3A_345 = arith.addi %scan3A_343, %scan3A_344 : i32
    %scan3A_346 = arith.constant 1 : i32
    scf.for %scan3A_426 = %scan3A_343 to %scan3A_345 step %scan3A_346  : i32 {
      %mul3A_427 = arith.constant 16 : i32
      %mul3A_428 = arith.muli %scan3A_426, %mul3A_427 : i32
      %add3A_429 = arith.constant 128 : i32
      %add3A_430 = arith.addi %add3A_429, %mul3A_428 : i32
      %get3A_431 = arith.index_cast %add3A_430 : i32 to index
      %get3A_432 = tpu.vector_load %arg8[%get3A_431] {strides = array<i32>} : memref<512xi32, #tpu.memory_space<vmem>>, vector<16xi32>,
      %gather3A_433 = tpu.vector_load_idx %arg10[%get3A_432] : memref<64xf32, #tpu.memory_space<vmem>>[vector<16xi32>], vector<16xf32>,
      %swap3A_434 = arith.index_cast %add3A_430 : i32 to index
      %swap3A_435 = tpu.vector_load %arg11[%swap3A_434] {strides = array<i32>} : memref<512xf32, #tpu.memory_space<vmem>>, vector<16xf32>,
      tpu.vector_store %arg11[%swap3A_434], %gather3A_433 {strides = array<i32>} : memref<512xf32, #tpu.memory_space<vmem>>, vector<16xf32>,
    }
    %scan3A_347 = arith.constant 8 : i32
    %mul3A_348 = arith.constant 512 : i32
    %mul3A_349 = arith.muli %add3A, %mul3A_348 : i32
    %add3A_350 = arith.constant 128 : i32
    %add3A_351 = arith.addi %mul3A_349, %add3A_350 : i32
    %dma_start3A_352 = arith.constant 128 : i32
    %dma_start3A_353 = tpu.memref_slice %arg11[%dma_start3A_352] : memref<512xf32, #tpu.memory_space<vmem>> -> memref<128xf32, #tpu.memory_space<vmem>>
    %dma_start3A_354 = tpu.memref_slice %arg5[%add3A_351] : memref<16384xf32, #tpu.memory_space<hbm>> -> memref<128xf32, #tpu.memory_space<hbm>>
    %dma_start3A_355 = tpu.memref_slice %arg5[%add3A_351] : memref<16384xf32, #tpu.memory_space<hbm>> -> memref<128xf32, #tpu.memory_space<hbm>>
    %dma_start3A_356 = arith.constant 128 : i32
    %dma_start3A_357 = tpu.memref_slice %arg11[%dma_start3A_356] : memref<512xf32, #tpu.memory_space<vmem>> -> memref<128xf32, #tpu.memory_space<vmem>>
    tpu.enqueue_dma source(%dma_start3A_357 : memref<128xf32, #tpu.memory_space<vmem>>) target(%dma_start3A_355 : memref<128xf32, #tpu.memory_space<hbm>>) target_semaphore(%arg12 : memref<!tpu.dma_semaphore, #tpu.memory_space<semaphore_mem>>)
    %dma_wait3A_358 = arith.constant 256 : i32
    %dma_wait3A_359 = tpu.memref_slice %arg8[%dma_wait3A_358] : memref<512xi32, #tpu.memory_space<vmem>> -> memref<128xi32, #tpu.memory_space<vmem>>
    %dma_wait3A_360 = arith.constant 256 : i32
    %dma_wait3A_361 = tpu.memref_slice %arg7[%dma_wait3A_360] : memref<512xi32, #tpu.memory_space<vmem>> -> memref<128xi32, #tpu.memory_space<vmem>>
    %dma_wait3A_362 = arith.constant 0 : i32
    %dma_wait3A_363 = tpu.memref_slice %arg2[%dma_wait3A_362] : memref<51200xi32, #tpu.memory_space<hbm>> -> memref<51200xi32, #tpu.memory_space<hbm>>
    tpu.wait_indirect_dma semaphore(%arg15 : memref<!tpu.dma_semaphore, #tpu.memory_space<semaphore_mem>>) src(%dma_wait3A_363 : memref<51200xi32, #tpu.memory_space<hbm>>) dst(%dma_wait3A_359 : memref<128xi32, #tpu.memory_space<vmem>>)
    %scan3A_364 = arith.constant 0 : i32
    %scan3A_365 = arith.constant 0 : i32
    %scan3A_366 = arith.constant 8 : i32
    %scan3A_367 = arith.addi %scan3A_365, %scan3A_366 : i32
    %scan3A_368 = arith.constant 1 : i32
    scf.for %scan3A_426 = %scan3A_365 to %scan3A_367 step %scan3A_368  : i32 {
      %mul3A_427 = arith.constant 16 : i32
      %mul3A_428 = arith.muli %scan3A_426, %mul3A_427 : i32
      %add3A_429 = arith.constant 256 : i32
      %add3A_430 = arith.addi %add3A_429, %mul3A_428 : i32
      %get3A_431 = arith.index_cast %add3A_430 : i32 to index
      %get3A_432 = tpu.vector_load %arg8[%get3A_431] {strides = array<i32>} : memref<512xi32, #tpu.memory_space<vmem>>, vector<16xi32>,
      %gather3A_433 = tpu.vector_load_idx %arg10[%get3A_432] : memref<64xf32, #tpu.memory_space<vmem>>[vector<16xi32>], vector<16xf32>,
      %swap3A_434 = arith.index_cast %add3A_430 : i32 to index
      %swap3A_435 = tpu.vector_load %arg11[%swap3A_434] {strides = array<i32>} : memref<512xf32, #tpu.memory_space<vmem>>, vector<16xf32>,
      tpu.vector_store %arg11[%swap3A_434], %gather3A_433 {strides = array<i32>} : memref<512xf32, #tpu.memory_space<vmem>>, vector<16xf32>,
    }
    %scan3A_369 = arith.constant 8 : i32
    %mul3A_370 = arith.constant 512 : i32
    %mul3A_371 = arith.muli %add3A, %mul3A_370 : i32
    %add3A_372 = arith.constant 256 : i32
    %add3A_373 = arith.addi %mul3A_371, %add3A_372 : i32
    %dma_start3A_374 = arith.constant 256 : i32
    %dma_start3A_375 = tpu.memref_slice %arg11[%dma_start3A_374] : memref<512xf32, #tpu.memory_space<vmem>> -> memref<128xf32, #tpu.memory_space<vmem>>
    %dma_start3A_376 = tpu.memref_slice %arg5[%add3A_373] : memref<16384xf32, #tpu.memory_space<hbm>> -> memref<128xf32, #tpu.memory_space<hbm>>
    %dma_start3A_377 = tpu.memref_slice %arg5[%add3A_373] : memref<16384xf32, #tpu.memory_space<hbm>> -> memref<128xf32, #tpu.memory_space<hbm>>
    %dma_start3A_378 = arith.constant 256 : i32
    %dma_start3A_379 = tpu.memref_slice %arg11[%dma_start3A_378] : memref<512xf32, #tpu.memory_space<vmem>> -> memref<128xf32, #tpu.memory_space<vmem>>
    tpu.enqueue_dma source(%dma_start3A_379 : memref<128xf32, #tpu.memory_space<vmem>>) target(%dma_start3A_377 : memref<128xf32, #tpu.memory_space<hbm>>) target_semaphore(%arg12 : memref<!tpu.dma_semaphore, #tpu.memory_space<semaphore_mem>>)
    %dma_wait3A_380 = arith.constant 384 : i32
    %dma_wait3A_381 = tpu.memref_slice %arg8[%dma_wait3A_380] : memref<512xi32, #tpu.memory_space<vmem>> -> memref<128xi32, #tpu.memory_space<vmem>>
    %dma_wait3A_382 = arith.constant 384 : i32
    %dma_wait3A_383 = tpu.memref_slice %arg7[%dma_wait3A_382] : memref<512xi32, #tpu.memory_space<vmem>> -> memref<128xi32, #tpu.memory_space<vmem>>
    %dma_wait3A_384 = arith.constant 0 : i32
    %dma_wait3A_385 = tpu.memref_slice %arg2[%dma_wait3A_384] : memref<51200xi32, #tpu.memory_space<hbm>> -> memref<51200xi32, #tpu.memory_space<hbm>>
    tpu.wait_indirect_dma semaphore(%arg16 : memref<!tpu.dma_semaphore, #tpu.memory_space<semaphore_mem>>) src(%dma_wait3A_385 : memref<51200xi32, #tpu.memory_space<hbm>>) dst(%dma_wait3A_381 : memref<128xi32, #tpu.memory_space<vmem>>)
    %scan3A_386 = arith.constant 0 : i32
    %scan3A_387 = arith.constant 0 : i32
    %scan3A_388 = arith.constant 8 : i32
    %scan3A_389 = arith.addi %scan3A_387, %scan3A_388 : i32
    %scan3A_390 = arith.constant 1 : i32
    scf.for %scan3A_426 = %scan3A_387 to %scan3A_389 step %scan3A_390  : i32 {
      %mul3A_427 = arith.constant 16 : i32
      %mul3A_428 = arith.muli %scan3A_426, %mul3A_427 : i32
      %add3A_429 = arith.constant 384 : i32
      %add3A_430 = arith.addi %add3A_429, %mul3A_428 : i32
      %get3A_431 = arith.index_cast %add3A_430 : i32 to index
      %get3A_432 = tpu.vector_load %arg8[%get3A_431] {strides = array<i32>} : memref<512xi32, #tpu.memory_space<vmem>>, vector<16xi32>,
      %gather3A_433 = tpu.vector_load_idx %arg10[%get3A_432] : memref<64xf32, #tpu.memory_space<vmem>>[vector<16xi32>], vector<16xf32>,
      %swap3A_434 = arith.index_cast %add3A_430 : i32 to index
      %swap3A_435 = tpu.vector_load %arg11[%swap3A_434] {strides = array<i32>} : memref<512xf32, #tpu.memory_space<vmem>>, vector<16xf32>,
      tpu.vector_store %arg11[%swap3A_434], %gather3A_433 {strides = array<i32>} : memref<512xf32, #tpu.memory_space<vmem>>, vector<16xf32>,
    }
    %scan3A_391 = arith.constant 8 : i32
    %mul3A_392 = arith.constant 512 : i32
    %mul3A_393 = arith.muli %add3A, %mul3A_392 : i32
    %add3A_394 = arith.constant 384 : i32
    %add3A_395 = arith.addi %mul3A_393, %add3A_394 : i32
    %dma_start3A_396 = arith.constant 384 : i32
    %dma_start3A_397 = tpu.memref_slice %arg11[%dma_start3A_396] : memref<512xf32, #tpu.memory_space<vmem>> -> memref<128xf32, #tpu.memory_space<vmem>>
    %dma_start3A_398 = tpu.memref_slice %arg5[%add3A_395] : memref<16384xf32, #tpu.memory_space<hbm>> -> memref<128xf32, #tpu.memory_space<hbm>>
    %dma_start3A_399 = tpu.memref_slice %arg5[%add3A_395] : memref<16384xf32, #tpu.memory_space<hbm>> -> memref<128xf32, #tpu.memory_space<hbm>>
    %dma_start3A_400 = arith.constant 384 : i32
    %dma_start3A_401 = tpu.memref_slice %arg11[%dma_start3A_400] : memref<512xf32, #tpu.memory_space<vmem>> -> memref<128xf32, #tpu.memory_space<vmem>>
    tpu.enqueue_dma source(%dma_start3A_401 : memref<128xf32, #tpu.memory_space<vmem>>) target(%dma_start3A_399 : memref<128xf32, #tpu.memory_space<hbm>>) target_semaphore(%arg12 : memref<!tpu.dma_semaphore, #tpu.memory_space<semaphore_mem>>)
    %dma_wait3A_402 = arith.constant 0 : i32
    %dma_wait3A_403 = tpu.memref_slice %arg11[%dma_wait3A_402] : memref<512xf32, #tpu.memory_space<vmem>> -> memref<128xf32, #tpu.memory_space<vmem>>
    %dma_wait3A_404 = tpu.memref_slice %arg5[%add3A_329] : memref<16384xf32, #tpu.memory_space<hbm>> -> memref<128xf32, #tpu.memory_space<hbm>>
    %dma_wait3A_405 = tpu.memref_slice %arg5[%add3A_329] : memref<16384xf32, #tpu.memory_space<hbm>> -> memref<128xf32, #tpu.memory_space<hbm>>
    %dma_wait3A_406 = arith.constant 0 : i32
    %dma_wait3A_407 = tpu.memref_slice %arg11[%dma_wait3A_406] : memref<512xf32, #tpu.memory_space<vmem>> -> memref<128xf32, #tpu.memory_space<vmem>>
    tpu.wait_dma2 semaphore(%arg12 : memref<!tpu.dma_semaphore, #tpu.memory_space<semaphore_mem>>) src(%dma_wait3A_407 : memref<128xf32, #tpu.memory_space<vmem>>) dst(%dma_wait3A_405 : memref<128xf32, #tpu.memory_space<hbm>>)
    %dma_wait3A_408 = arith.constant 128 : i32
    %dma_wait3A_409 = tpu.memref_slice %arg11[%dma_wait3A_408] : memref<512xf32, #tpu.memory_space<vmem>> -> memref<128xf32, #tpu.memory_space<vmem>>
    %dma_wait3A_410 = tpu.memref_slice %arg5[%add3A_351] : memref<16384xf32, #tpu.memory_space<hbm>> -> memref<128xf32, #tpu.memory_space<hbm>>
    %dma_wait3A_411 = tpu.memref_slice %arg5[%add3A_351] : memref<16384xf32, #tpu.memory_space<hbm>> -> memref<128xf32, #tpu.memory_space<hbm>>
    %dma_wait3A_412 = arith.constant 128 : i32
    %dma_wait3A_413 = tpu.memref_slice %arg11[%dma_wait3A_412] : memref<512xf32, #tpu.memory_space<vmem>> -> memref<128xf32, #tpu.memory_space<vmem>>
    tpu.wait_dma2 semaphore(%arg12 : memref<!tpu.dma_semaphore, #tpu.memory_space<semaphore_mem>>) src(%dma_wait3A_413 : memref<128xf32, #tpu.memory_space<vmem>>) dst(%dma_wait3A_411 : memref<128xf32, #tpu.memory_space<hbm>>)
    %dma_wait3A_414 = arith.constant 256 : i32
    %dma_wait3A_415 = tpu.memref_slice %arg11[%dma_wait3A_414] : memref<512xf32, #tpu.memory_space<vmem>> -> memref<128xf32, #tpu.memory_space<vmem>>
    %dma_wait3A_416 = tpu.memref_slice %arg5[%add3A_373] : memref<16384xf32, #tpu.memory_space<hbm>> -> memref<128xf32, #tpu.memory_space<hbm>>
    %dma_wait3A_417 = tpu.memref_slice %arg5[%add3A_373] : memref<16384xf32, #tpu.memory_space<hbm>> -> memref<128xf32, #tpu.memory_space<hbm>>
    %dma_wait3A_418 = arith.constant 256 : i32
    %dma_wait3A_419 = tpu.memref_slice %arg11[%dma_wait3A_418] : memref<512xf32, #tpu.memory_space<vmem>> -> memref<128xf32, #tpu.memory_space<vmem>>
    tpu.wait_dma2 semaphore(%arg12 : memref<!tpu.dma_semaphore, #tpu.memory_space<semaphore_mem>>) src(%dma_wait3A_419 : memref<128xf32, #tpu.memory_space<vmem>>) dst(%dma_wait3A_417 : memref<128xf32, #tpu.memory_space<hbm>>)
    %dma_wait3A_420 = arith.constant 384 : i32
    %dma_wait3A_421 = tpu.memref_slice %arg11[%dma_wait3A_420] : memref<512xf32, #tpu.memory_space<vmem>> -> memref<128xf32, #tpu.memory_space<vmem>>
    %dma_wait3A_422 = tpu.memref_slice %arg5[%add3A_395] : memref<16384xf32, #tpu.memory_space<hbm>> -> memref<128xf32, #tpu.memory_space<hbm>>
    %dma_wait3A_423 = tpu.memref_slice %arg5[%add3A_395] : memref<16384xf32, #tpu.memory_space<hbm>> -> memref<128xf32, #tpu.memory_space<hbm>>
    %dma_wait3A_424 = arith.constant 384 : i32
    %dma_wait3A_425 = tpu.memref_slice %arg11[%dma_wait3A_424] : memref<512xf32, #tpu.memory_space<vmem>> -> memref<128xf32, #tpu.memory_space<vmem>>
    tpu.wait_dma2 semaphore(%arg12 : memref<!tpu.dma_semaphore, #tpu.memory_space<semaphore_mem>>) src(%dma_wait3A_425 : memref<128xf32, #tpu.memory_space<vmem>>) dst(%dma_wait3A_423 : memref<128xf32, #tpu.memory_space<hbm>>)
    return
  }
}

</mosaic_0001>

<sc_bundles>
// kernel: _run.3.cloned.1.call-start
scs
__scs_entry_jumppad:
0x0: {  	(pc) =	sbr.rel $0x88, $3  }
0x1: {  	(tag) =	ssettag $0x0;
	lr =	simm.s32 $0x1  }
0x2: {  	[smem:$0x3F9E] =	sst lr;
	_ =	strace $0xD0000000  }
0x3: {  	_ = 	snop  }
0x4: {  	_ = 	snop  }
0x5: {  	_ = 	snop  }
0x6: {  	_ = 	snop  }
0x7: {  	_ = 	snop  }
__scs_overlays_trampoline_lowered:
0x8: {  	[smem:$0x3FAD] =	sst s0  }
0x9: {  	[smem:$0x3FAE] =	sst s1  }
0xa: {  	[smem:$0x3FAF] =	sst s2  }
0xb: {  	[smem:$0x3FB0] =	sst s3  }
0xc: {  	[smem:$0x3FB1] =	sst s4  }
0xd: {  	[smem:$0x3FB2] =	sst s5  }
0xe: {  	[smem:$0x3FB3] =	sst s6  }
0xf: {  	[smem:$0x3FB4] =	sst s7  }
0x10: {  	[smem:$0x3FB5] =	sst s8  }
0x11: {  	[smem:$0x3FB6] =	sst s9;
	s0 =	simm.s32 @!p0 $0x0  }
0x12: {  	s1 =	sld [smem:$0x3F9C];
	s0 =	simm.s32 @p0 $0x1  }
0x13: {  	[smem:$0x3FB7] =	sst s0;
	s0 =	simm.s32 @!p1 $0x0  }
0x14: {  	s2 =	sld [smem:$0x3F9B];
	s0 =	simm.s32 @p1 $0x1  }
0x15: {  	[smem:$0x3FB8] =	sst s0;
	s0 =	simm.s32 @!p2 $0x0  }
0x16: {  	s3 =	sld [smem:$0x3FDB];
	s0 =	simm.s32 @p2 $0x1  }
0x17: {  	s4 =	simm.s32 $0x1BF5;
	[smem:$0x3FBA] =	sst s0  }
0x18: {  	s0 =	sld [smem:$0x3F9D];
	_ =	swait.ge [sflag:s4], $0x0  }
0x19: {  	s7 =	sld [smem:$0x3F9E]  }
0x1a: {  	s8 =	sadd.s32 $0xFFFFE003, lr  }
0x1b: {  	s9 =	sadd.s32 $0xFFFFFEF7, lr;
	s5 =	simm.s32 $0xFFFFFFFF;
	p2 =	slt.u32 s8, $0xFFFFF086  }
0x1c: {  	p1 =	slt.u32 s9, $0xF7A;
	s5 =	simm.s32 @!p2 $0x0  }
0x1d: {  	s5 =	simm.s32 @p1 $0x1;
	p0 =	seq.s32 s7, s2  }
0x1e: {  	s7 =	smul.u32 @!p0 $0xF7A, s2;
	p2 =	seq.s32 @!p0 s5, $0x0  }
0x1f: {  	s9 =	smul.u32 $0xF7A, s1;
	s8 =	simm.s32 @!p0 $0x1BF5;
	p2 =	por !p2, p0  }
0x20: {  	[sflag:s8] =	ssyncset.s32 @!p0 $0xFFFFF086;
	s6 =	sadd.s32 @!p0 s3, s7;
	s7 =	simm.s32 @!p0 $0x108  }
0x21: {  	s3 =	sadd.s32 s3, s9;
	s6 =	sadd.s32 @!p0 $0x88, s6;
	s7 =	simm.s32 @p2 $0x1082  }
0x22: {  	[simem:s7], [sflag:s8] =	dma.local @!p0 [hbm:s6], $0xF7A  }
0x23: {  	s9 =	sor.u32 $0xD0000000, s2;
	s6 =	simm.s32 $0x108;
	_ =	swait.ge @!p0 [sflag:s8], $0x0  }
0x24: {  	s3 =	sadd.s32 $0x88, s3;
	s6 =	simm.s32 @!p1 $0x1082;
	[sflag:s4] =	ssyncset.s32 $0xFFFFF086  }
0x25: {  	[simem:s6], [sflag:s4] =	dma.local [hbm:s3], $0xF7A  }
0x26: {  	[smem:$0x3F9E] =	sst s1;
	(tag) =	ssettag s2;
	_ =	strace s9  }
0x27: {  	s1 =	sld [smem:$0x3FAE]  }
0x28: {  	s2 =	sld [smem:$0x3FAF]  }
0x29: {  	s4 =	sld [smem:$0x3FB1]  }
0x2a: {  	p0 =	seq.s32 s5, $0x0;
	s5 =	sld [smem:$0x3FB2]  }
0x2b: {  	s6 =	sld [smem:$0x3FB3]  }
0x2c: {  	s7 =	sld [smem:$0x3FB4]  }
0x2d: {  	s3 =	simm.s32 $0x108;
	s8 =	sld [smem:$0x3FB5]  }
0x2e: {  	s3 =	simm.s32 @!p0 $0x1082;
	s9 =	sld [smem:$0x3FB6]  }
0x2f: {  	lr =	sadd.s32 s0, s3;
	s0 =	sld [smem:$0x3FAD]  }
0x30: {  	s3 =	sld [smem:$0x3FB0]  }
0x31: {  	[smem:$0x3FB9] =	sst s10  }
0x32: {  	s10 =	sld [smem:$0x3FB7];
	_ =	sdelay $0x3  }
0x33: {  	p0 =	seq.s32 s10, $0x1;
	s10 =	sld [smem:$0x3FB9];
	_ =	sdelay $0x3  }
0x34: {  	[smem:$0x3FB9] =	sst s10  }
0x35: {  	s10 =	sld [smem:$0x3FB8];
	_ =	sdelay $0x3  }
0x36: {  	p1 =	seq.s32 s10, $0x1;
	s10 =	sld [smem:$0x3FB9];
	_ =	sdelay $0x3  }
0x37: {  	[smem:$0x3FB9] =	sst s10  }
0x38: {  	s10 =	sld [smem:$0x3FBA]  }
0x39: {  	_ = 	snop;
	(pc) =	sbr.ind lr, $3  }
0x3a: {  	_ = 	snop  }
0x3b: {  	_ = 	snop  }
0x3c: {  	p2 =	seq.s32 s10, $0x1;
	s10 =	sld [smem:$0x3FB9]  }
0x3d: {  	_ =	shalt  }
0x3e: {  	_ =	shalt  }
0x3f: {  	_ =	shalt  }
0x40: {  	_ =	shalt  }
0x41: {  	_ =	shalt  }
0x42: {  	_ =	shalt  }
0x43: {  	_ =	shalt  }
0x44: {  	_ =	shalt  }
0x45: {  	_ =	shalt  }
0x46: {  	_ =	shalt  }
0x47: {  	_ =	shalt  }
0x48: {  	_ =	shalt  }
0x49: {  	_ =	shalt  }
0x4a: {  	_ =	shalt  }
0x4b: {  	_ =	shalt  }
0x4c: {  	_ =	shalt  }
0x4d: {  	_ =	shalt  }
0x4e: {  	_ =	shalt  }
0x4f: {  	_ =	shalt  }
0x50: {  	_ =	shalt  }
0x51: {  	_ =	shalt  }
0x52: {  	_ =	shalt  }
0x53: {  	_ =	shalt  }
0x54: {  	_ =	shalt  }
0x55: {  	_ =	shalt  }
0x56: {  	_ =	shalt  }
0x57: {  	_ =	shalt  }
0x58: {  	_ =	shalt  }
0x59: {  	_ =	shalt  }
0x5a: {  	_ =	shalt  }
0x5b: {  	_ =	shalt  }
0x5c: {  	_ =	shalt  }
0x5d: {  	_ =	shalt  }
0x5e: {  	_ =	shalt  }
0x5f: {  	_ =	shalt  }
0x60: {  	_ =	shalt  }
0x61: {  	_ =	shalt  }
0x62: {  	_ =	shalt  }
0x63: {  	_ =	shalt  }
0x64: {  	_ =	shalt  }
0x65: {  	_ =	shalt  }
0x66: {  	_ =	shalt  }
0x67: {  	_ =	shalt  }
0x68: {  	_ =	shalt  }
0x69: {  	_ =	shalt  }
0x6a: {  	_ =	shalt  }
0x6b: {  	_ =	shalt  }
0x6c: {  	_ =	shalt  }
0x6d: {  	_ =	shalt  }
0x6e: {  	_ =	shalt  }
0x6f: {  	_ =	shalt  }
0x70: {  	_ =	shalt  }
0x71: {  	_ =	shalt  }
0x72: {  	_ =	shalt  }
0x73: {  	_ =	shalt  }
0x74: {  	_ =	shalt  }
0x75: {  	_ =	shalt  }
0x76: {  	_ =	shalt  }
0x77: {  	_ =	shalt  }
0x78: {  	_ =	shalt  }
0x79: {  	_ =	shalt  }
0x7a: {  	_ =	shalt  }
0x7b: {  	_ =	shalt  }
0x7c: {  	_ =	shalt  }
0x7d: {  	_ =	shalt  }
0x7e: {  	_ =	shalt  }
0x7f: {  	_ =	shalt  }
0x80: {  	_ =	shalt  }
0x81: {  	_ =	shalt  }
0x82: {  	_ =	shalt  }
0x83: {  	_ =	shalt  }
0x84: {  	_ =	shalt  }
0x85: {  	_ =	shalt  }
0x86: {  	_ =	shalt  }
0x87: {  	_ =	shalt  }
.Lfunc_end0:
.L_simem_size_0:
called_computation_lowered:
.L_overlay_start_0:
0x88: {  	s2 =	sld [smem:$0x3FD9]  }
0x89: {  	s3 =	sld [smem:$0x3FFE];
	_ =	sdelay $0x1  }
0x8a: {  	s1 =	srdreg.scid  }
0x8b: {  	s0 =	sand.u32 $0x1, s1  }
0x8c: {  	s18 =	sshll.u32 s0, $0xA;
	s2 =	sadd.s32 s3, s2  }
0x8d: {  	s2 =	sadd.s32 s2, s18  }
0x8e: {  	[smem:$0x3FC5] =	sst s2  }
0x8f: {  	_ = 	snop  }
0x90: {  	s2 =	sld [smem:$0x3FC9]  }
0x91: {  	s19 =	sld [smem:$0x3FC8]  }
0x92: {  	s4 =	sld [smem:$0x3FC7]  }
0x93: {  	s5 =	sld [smem:$0x3FD0];
	(tm) =	ssettm $0x1  }
0x94: {  	s6 =	sld [smem:$0x3FFB];
	_ =	sdelay $0x3  }
0x95: {  	_ =	strace s6  }
0x96: {  	s6 =	sld [smem:$0x3FFC];
	_ =	sdelay $0x3  }
0x97: {  	_ =	strace s6  }
0x98: {  	s6 =	sld [smem:$0x3FFD];
	_ =	sdelay $0x3  }
0x99: {  	_ =	strace s6  }
0x9a: {  	_ =	strace $0x8FFFFFFF  }
0x9b: {  	s20 =	sld [smem:$0x3FDB];
	_ =	sdelay $0x1  }
0x9c: {  	s7 =	simm.s32 $_scs_section_size  }
0x9d: {  	s8 =	simm.s32 $_size__tile_overlayer_lowered;
	s9 =	simm.s32 $_tile_overlayer_lowered  }
0x9e: {  	s23 =	simm.s32 $0x1BFF;
	s22 =	sshll.u32 s9, $0x1;
	s6 =	sadd.s32 s7, s20  }
0x9f: {  	s10 =	simm.s32 $0x0;
	s21 =	sshll.u32 s8, $0x1;
	s8 =	sadd.s32 s22, s6  }
0xa0: {  	[timem:s10], [sflag:s23] =	dma.local [hbm:s8], s21  }
0xa1: {  	_ =	swait.ge [sflag:s23], s21  }
0xa2: {  	s7 =	ssub.s32 $0x0, s21;
	[sflag:s23] =	ssyncset.done $0x0  }
0xa3: {  	[sflag:s23] =	ssyncadd.s32 s7;
	_ =	sdelay $0x1  }
0xa4: {  	s24 =	simm.s32 $0x1B8B  }
0xa5: {  	_ =	swait.ge [sflag:s24], $0x1  }
0xa6: {  	[sflag:s24] =	ssyncset.done $0x0  }
0xa7: {  	s25 =	simm.s32 $0x1B8E;
	[sflag:s24] =	ssyncadd.s32 $0xFFFFFFFF  }
0xa8: {  	s26 =	simm.s32 $execute0_lowered;
	[smem:$0x3FD2] =	sst s25  }
0xa9: {  	s7 =	sshll.u32 s26, $0x1;
	_ =	strace $0x80000046;
	[dreg:$0x1] =	wrdreg $0xFFFFFFFF  }
0xaa: {  	s28 =	simm.s32 $_size_execute0_lowered;
	s6 =	sadd.s32 s6, s7;
	[dreg:$0x0] =	wrdreg $0x0  }
0xab: {  	s7 =	sshll.u32 s28, $0x1;
	[dreg:$0x2] =	wrdreg s6  }
0xac: {  	[dreg:$0x3] =	wrdreg s7  }
0xad: {  	[dreg:$0x4] =	wrdreg $0xC0  }
0xae: {  	_ =	task [dreg:s10], $0x5FFFF  }
0xaf: {  	[dreg:$0x1] =	wrdreg $0xFFFFFFFF  }
0xb0: {  	[dreg:$0x0] =	wrdreg $0x60  }
0xb1: {  	[dreg:$0x2] =	wrdreg s2  }
0xb2: {  	[dreg:$0x3] =	wrdreg s19  }
0xb3: {  	[dreg:$0x4] =	wrdreg s4  }
0xb4: {  	[dreg:$0x5] =	wrdreg s5  }
0xb5: {  	[dreg:$0x6] =	wrdreg $0x9  }
0xb6: {  	_ =	task.clear_ibuf [dreg:s10], $0x7FFFF;
	_ =	strace $0x90000046  }
0xb7: {  	s29 =	simm.s32 $0x9;
	_ =	strace $0x80000048  }
0xb8: {  	_ =	swait.ge [sflag:s29], $0x1  }
0xb9: {  	[sflag:s29] =	ssyncadd.s32 $0xFFFFFFFF  }
0xba: {  	_ =	strace $0x90000048  }
0xbb: {  	_ =	sfence  }
0xbc: {  	s30 =	sld [smem:$0x0];
	_ =	sdelay $0x2  }
0xbd: {  	s31 =	sshll.u32 s1, $0xD;
	s1 =	sshrl.u32 s1, $0x2  }
0xbe: {  	s3 =	sand.u32 $0x4000, s31;
	s1 =	sadd.s32 s1, s30  }
0xbf: {  	s0 =	sor.u32 s3, s0;
	s1 =	sshll.u32 s1, $0x11  }
0xc0: {  	s0 =	sor.u32 s1, s0  }
0xc1: {  	s0 =	sadd.s32 $0x8F2B, s0  }
0xc2: {  	[sflag:s0] =	ssyncadd.remote.s32 $0x1  }
0xc3: {  	_ =	sfence.sel $0xFFFF  }
0xc4: {  	[dreg:$0x0] =	wrdreg $0xFFFFFFFF;
	(pc) =	sbr.abs _section_cstart, $3  }
0xc5: {  	[dreg:$0x1] =	wrdreg $0xFFFFFFFF  }
0xc6: {  	_ =	task.clear_ibuf [dreg:s10], $0x2FFFF;
	_ =	strace $0x9FFFFFFF  }
0xc7: {  	(tm) =	ssettm $0x7FFFFFFF  }
tec
execute0_lowered:
.L_overlay_start_1:
0x0: {  	(tag) =	ssettag $0x1  }
0x1: {  	s1 =	rddreg [dreg:$0x0]  }
0x2: {  	s0 =	rddreg [dreg:$0x1]  }
0x3: {  	s2 =	rddreg [dreg:$0x2]  }
0x4: {  	s8 =	rddreg [dreg:$0x3];
	s4 =	srdreg.scid;
	s3 =	simm.s32 $0x0  }
0x5: {  	s19 =	stileid.u32;
	s13 =	simm.s32 $0x2;
	s14 =	simm.s32 $0x80  }
0x6: {  	s15 =	simm.s32 $0x400;
	s16 =	simm.s32 $0x600;
	s17 =	simm.s32 $0x3  }
0x7: {  	s18 =	simm.s32 $0x480;
	s28 =	simm.s32 $0x880;
	s29 =	simm.s32 $0x900  }
0x8: {  	s30 =	simm.s32 $0x980;
	s31 =	simm.s32 $0xA00;
	[dreg:$0x5] =	wrdreg s2  }
0x9: {  	s4 =	sand.u32 $0x1, s4;
	[smem:$0x7FF] =	sst s3;
	s5 =	sshll.u32 s19, $0xA  }
0xa: {  	s19 =	simm.s32 $0x680;
	s6 =	sshll.u32 s4, $0x9;
	s4 =	ssub.s32 $0x2, s4  }
0xb: {  	_ =	strace $0x80000047;
	s5 =	sor.u32 s6, s5;
	s9 =	sshrl.u32 s4, $0x1  }
0xc: {  	v0 =	vimm.s32 $0xFEDCBA98;
	v1 =	vimm.s32 $0x76543210;
	s6 =	sshrl.u32 s5, $0x2;
	s7 =	sshrl.u32 s5, $0x7;
	s9 =	ssub.s32 s4, s9  }
0xd: {  	v2 =	vimm.s32 $0xBA98FEDC;
	v3 =	vimm.s32 $0x32107654;
	v4 =	vimm.s32 $0xDCFE98BA;
	s23 =	sshrl.u32 s5, $0x3;
	s6 =	sadd.s32 s0, s6;
	s10 =	sor.u32 $0x1, s7  }
0xe: {  	v5 =	vimm.s32 $0x54761032;
	v6 =	vimm.s32 $0xEFCDAB89;
	v7 =	vimm.s32 $0x67452301;
	s11 =	sor.u32 $0x2, s7;
	s7 =	sor.u32 $0x3, s7;
	s4 =	sadd.s32 s8, s23  }
0xf: {  	v0 =	vunpack.c.l.s4.s8 v0;
	v1 =	vunpack.c.l.s4.s8 v1;
	v2 =	vunpack.c.l.s4.s8 v2;
	s9 =	smax.u32 s9, $0x1;
	s23 =	simm.s32 $0x5;
	[dreg:$0x6] =	wrdreg s6  }
0x10: {  	v3 =	vunpack.c.l.s4.s8 v3;
	v4 =	vunpack.c.l.s4.s8 v4;
	v5 =	vunpack.c.l.s4.s8 v5;
	s20 =	sshll.u32 s10, $0x5;
	s12 =	sshll.u32 s11, $0x5;
	s22 =	sshll.u32 s7, $0x5  }
0x11: {  	v6 =	vunpack.c.l.s4.s8 v6;
	v7 =	vunpack.c.l.s4.s8 v7;
	v0 =	vunpack.c.0.s8.s32 v0;
	s24 =	sshll.u32 s10, $0x4;
	s25 =	sshll.u32 s11, $0x4;
	s26 =	sshll.u32 s7, $0x4  }
0x12: {  	v2 =	vunpack.c.0.s8.s32 v2;
	v3 =	vunpack.c.0.s8.s32 v3;
	v4 =	vunpack.c.0.s8.s32 v4;
	s11 =	simm.s32 $0x300;
	s6 =	sadd.s32 s0, s20;
	s21 =	sadd.s32 s0, s12  }
0x13: {  	v5 =	vunpack.c.0.s8.s32 v5;
	v6 =	vunpack.c.0.s8.s32 v6;
	v7 =	vunpack.c.0.s8.s32 v7;
	s0 =	sadd.s32 s0, s22;
	s5 =	sadd.s32 s8, s24;
	[dreg:$0x7] =	wrdreg s6  }
0x14: {  	v1 =	vunpack.c.0.s8.s32 v1;
	v2 =	vcombine.low v3, v2;
	s12 =	simm.s32 $0x800;
	s20 =	simm.s32 $0x4;
	[dreg:$0x8] =	wrdreg s21  }
0x15: {  	v3 =	vcombine.low v5, v4;
	v4 =	vcombine.low v7, v6;
	v0 =	vand.u32 $0xF, v0;
	s22 =	simm.s32 $0x700;
	s24 =	simm.s32 $0x580;
	[dreg:$0x9] =	wrdreg s0  }
0x16: {  	v0 =	vcombine.low v0, v1;
	s6 =	sadd.s32 s8, s25;
	s8 =	sadd.s32 s8, s26;
	s21 =	simm.s32 $0x500  }
0x17: {  	v1 =	vand.u32 $0xF, v2;
	v2 =	vand.u32 $0xF, v3;
	v3 =	vand.u32 $0xF, v4;
	s25 =	simm.s32 $0x780;
	s26 =	simm.s32 $0x1;
	s0 =	simm.s32 $0xA80  }
.LBB2_1:
0x18: {  	s2 =	rddreg [dreg:$0x6]  }
0x19: {  	[tilespmem:s3], [sflag:$0x2] =	stream.linear.gather [hbm4b:s2+s3], $0x100, $0x38;
	[tilespmem:$0xB00] =	vst v63  }
0x1a: {  	s7 =	rddreg [dreg:$0x7];
	s10 =	simm.s32 $0x100  }
0x1b: {  	[tilespmem:s10], [sflag:$0x3] =	stream.linear.gather [hbm4b:s7+s3], $0x100, $0x38;
	[tilespmem:$0xB00] =	vst v63  }
0x1c: {  	s2 =	rddreg [dreg:$0x8];
	s10 =	simm.s32 $0x200  }
0x1d: {  	[tilespmem:s10], [sflag:$0x4] =	stream.linear.gather [hbm4b:s2+s3], $0x100, $0x38;
	[tilespmem:$0xB00] =	vst v63  }
0x1e: {  	s7 =	rddreg [dreg:$0x9]  }
0x1f: {  	[tilespmem:s11], [sflag:$0x5] =	stream.linear.gather [hbm4b:s7+s3], $0x100, $0x38;
	[tilespmem:$0xB00] =	vst v63  }
0x20: {  	s10 =	rddreg [dreg:$0x5]  }
0x21: {  	[tilespmem:s12], [sflag:$0x1] =	stream.linear.gather [hbm4b:s10+s3], $0x80, $0x38;
	[tilespmem:$0xB00] =	vst v63  }
0x22: {  	_ =	swait.ge [sflag:s13], $0x100  }
0x23: {  	[sflag:s13] =	ssyncset.done $0x0  }
0x24: {  	[sflag:s13] =	ssyncadd.s32 $0xFFFFFF00  }
0x25: {  	v4 =	vld [tilespmem:$0x80]  }
0x26: {  	v5 =	vld [tilespmem:$0x0]  }
0x27: {  	v6 =	vld [tilespmem:$0x90]  }
0x28: {  	v7 =	vld [tilespmem:$0x10]  }
0x29: {  	v8 =	vld [tilespmem:$0xA0]  }
0x2a: {  	v9 =	vld [tilespmem:$0x20]  }
0x2b: {  	v10 =	vld [tilespmem:$0xB0]  }
0x2c: {  	v11 =	vld [tilespmem:$0x30]  }
0x2d: {  	v12 =	vld [tilespmem:$0xC0]  }
0x2e: {  	v13 =	vld [tilespmem:$0x40]  }
0x2f: {  	v14 =	vld [tilespmem:$0xD0]  }
0x30: {  	v15 =	vld [tilespmem:$0x50]  }
0x31: {  	v16 =	vld [tilespmem:$0xE0];
	v4 =	vshll.u32 v4, $0x8  }
0x32: {  	v37 =	vld [tilespmem:$0x60];
	v4 =	vadd.s32 v5, v4;
	v5 =	vshll.u32 v6, $0x8  }
0x33: {  	v38 =	vld [tilespmem:$0xF0];
	[tilespmem:$0x400] =	vst v4;
	v4 =	vadd.s32 v7, v5;
	v5 =	vshll.u32 v8, $0x8  }
0x34: {  	v39 =	vld [tilespmem:$0x70];
	[tilespmem:$0x410] =	vst v4;
	v4 =	vadd.s32 v9, v5;
	v5 =	vshll.u32 v10, $0x8  }
0x35: {  	[tilespmem:$0x420] =	vst v4;
	v4 =	vadd.s32 v11, v5;
	v5 =	vshll.u32 v12, $0x8  }
0x36: {  	[tilespmem:$0x430] =	vst v4;
	v4 =	vadd.s32 v13, v5;
	v5 =	vshll.u32 v14, $0x8  }
0x37: {  	[tilespmem:$0x440] =	vst v4;
	v4 =	vadd.s32 v15, v5;
	v5 =	vshll.u32 v16, $0x8  }
0x38: {  	[tilespmem:$0x450] =	vst v4;
	v4 =	vadd.s32 v37, v5;
	v5 =	vshll.u32 v38, $0x8  }
0x39: {  	[tilespmem:$0x460] =	vst v4;
	v4 =	vadd.s32 v39, v5  }
0x3a: {  	[tilespmem:$0x470] =	vst v4  }
0x3b: {  	[tilespmem:s16], [sflag:$0x2] =	stream.indirect.gather [hbm4b:s1+s14], $0x1, s15, s14, $0xb8;
	[tilespmem:$0xB00] =	vst v63  }
0x3c: {  	_ =	swait.ge [sflag:s17], $0x100  }
0x3d: {  	[sflag:s17] =	ssyncset.done $0x0  }
0x3e: {  	[sflag:s17] =	ssyncadd.s32 $0xFFFFFF00  }
0x3f: {  	v4 =	vld [tilespmem:$0x180]  }
0x40: {  	v5 =	vld [tilespmem:$0x100]  }
0x41: {  	v40 =	vld [tilespmem:$0x190]  }
0x42: {  	v41 =	vld [tilespmem:$0x110]  }
0x43: {  	v42 =	vld [tilespmem:$0x1A0]  }
0x44: {  	v43 =	vld [tilespmem:$0x120]  }
0x45: {  	v44 =	vld [tilespmem:$0x1B0]  }
0x46: {  	v45 =	vld [tilespmem:$0x130]  }
0x47: {  	v46 =	vld [tilespmem:$0x1C0]  }
0x48: {  	v47 =	vld [tilespmem:$0x140]  }
0x49: {  	v48 =	vld [tilespmem:$0x1D0]  }
0x4a: {  	v49 =	vld [tilespmem:$0x150]  }
0x4b: {  	v50 =	vld [tilespmem:$0x1E0];
	v4 =	vshll.u32 v4, $0x8  }
0x4c: {  	v51 =	vld [tilespmem:$0x160];
	v4 =	vadd.s32 v5, v4;
	v5 =	vshll.u32 v40, $0x8  }
0x4d: {  	v52 =	vld [tilespmem:$0x1F0];
	[tilespmem:$0x480] =	vst v4;
	v4 =	vadd.s32 v41, v5;
	v5 =	vshll.u32 v42, $0x8  }
0x4e: {  	v53 =	vld [tilespmem:$0x170];
	[tilespmem:$0x490] =	vst v4;
	v4 =	vadd.s32 v43, v5;
	v5 =	vshll.u32 v44, $0x8  }
0x4f: {  	[tilespmem:$0x4A0] =	vst v4;
	v4 =	vadd.s32 v45, v5;
	v5 =	vshll.u32 v46, $0x8  }
0x50: {  	[tilespmem:$0x4B0] =	vst v4;
	v4 =	vadd.s32 v47, v5;
	v5 =	vshll.u32 v48, $0x8  }
0x51: {  	[tilespmem:$0x4C0] =	vst v4;
	v4 =	vadd.s32 v49, v5;
	v5 =	vshll.u32 v50, $0x8  }
0x52: {  	[tilespmem:$0x4D0] =	vst v4;
	v4 =	vadd.s32 v51, v5;
	v5 =	vshll.u32 v52, $0x8  }
0x53: {  	[tilespmem:$0x4E0] =	vst v4;
	v4 =	vadd.s32 v53, v5  }
0x54: {  	[tilespmem:$0x4F0] =	vst v4  }
0x55: {  	[tilespmem:s19], [sflag:$0x3] =	stream.indirect.gather [hbm4b:s1+s14], $0x1, s18, s14, $0xb8;
	[tilespmem:$0xB00] =	vst v63  }
0x56: {  	_ =	swait.ge [sflag:s20], $0x100  }
0x57: {  	[sflag:s20] =	ssyncset.done $0x0  }
0x58: {  	[sflag:s20] =	ssyncadd.s32 $0xFFFFFF00  }
0x59: {  	v4 =	vld [tilespmem:$0x280]  }
0x5a: {  	v5 =	vld [tilespmem:$0x200]  }
0x5b: {  	v54 =	vld [tilespmem:$0x290]  }
0x5c: {  	v55 =	vld [tilespmem:$0x210]  }
0x5d: {  	v56 =	vld [tilespmem:$0x2A0]  }
0x5e: {  	v57 =	vld [tilespmem:$0x220]  }
0x5f: {  	v58 =	vld [tilespmem:$0x2B0]  }
0x60: {  	v59 =	vld [tilespmem:$0x230]  }
0x61: {  	v60 =	vld [tilespmem:$0x2C0]  }
0x62: {  	v61 =	vld [tilespmem:$0x240]  }
0x63: {  	v62 =	vld [tilespmem:$0x2D0]  }
0x64: {  	v63 =	vld [tilespmem:$0x250]  }
0x65: {  	v20 =	vld [tilespmem:$0x2E0];
	v4 =	vshll.u32 v4, $0x8  }
0x66: {  	v21 =	vld [tilespmem:$0x260];
	v4 =	vadd.s32 v5, v4;
	v5 =	vshll.u32 v54, $0x8  }
0x67: {  	v22 =	vld [tilespmem:$0x2F0];
	[tilespmem:$0x500] =	vst v4;
	v4 =	vadd.s32 v55, v5;
	v5 =	vshll.u32 v56, $0x8  }
0x68: {  	v23 =	vld [tilespmem:$0x270];
	[tilespmem:$0x510] =	vst v4;
	v4 =	vadd.s32 v57, v5;
	v5 =	vshll.u32 v58, $0x8  }
0x69: {  	[tilespmem:$0x520] =	vst v4;
	v4 =	vadd.s32 v59, v5;
	v5 =	vshll.u32 v60, $0x8  }
0x6a: {  	[tilespmem:$0x530] =	vst v4;
	v4 =	vadd.s32 v61, v5;
	v5 =	vshll.u32 v62, $0x8  }
0x6b: {  	[tilespmem:$0x540] =	vst v4;
	v4 =	vadd.s32 v63, v5;
	v5 =	vshll.u32 v20, $0x8  }
0x6c: {  	[tilespmem:$0x550] =	vst v4;
	v4 =	vadd.s32 v21, v5;
	v5 =	vshll.u32 v22, $0x8  }
0x6d: {  	[tilespmem:$0x560] =	vst v4;
	v4 =	vadd.s32 v23, v5  }
0x6e: {  	[tilespmem:$0x570] =	vst v4  }
0x6f: {  	[tilespmem:s22], [sflag:$0x4] =	stream.indirect.gather [hbm4b:s1+s14], $0x1, s21, s14, $0xb8;
	[tilespmem:$0xB00] =	vst v63  }
0x70: {  	_ =	swait.ge [sflag:s23], $0x100  }
0x71: {  	[sflag:s23] =	ssyncset.done $0x0  }
0x72: {  	[sflag:s23] =	ssyncadd.s32 $0xFFFFFF00  }
0x73: {  	v4 =	vld [tilespmem:$0x380]  }
0x74: {  	v5 =	vld [tilespmem:$0x300]  }
0x75: {  	v24 =	vld [tilespmem:$0x390]  }
0x76: {  	v25 =	vld [tilespmem:$0x310]  }
0x77: {  	v26 =	vld [tilespmem:$0x3A0]  }
0x78: {  	v27 =	vld [tilespmem:$0x320]  }
0x79: {  	v28 =	vld [tilespmem:$0x3B0]  }
0x7a: {  	v29 =	vld [tilespmem:$0x330]  }
0x7b: {  	v30 =	vld [tilespmem:$0x3C0]  }
0x7c: {  	v31 =	vld [tilespmem:$0x340]  }
0x7d: {  	v32 =	vld [tilespmem:$0x3D0]  }
0x7e: {  	v33 =	vld [tilespmem:$0x350]  }
0x7f: {  	v34 =	vld [tilespmem:$0x3E0];
	v4 =	vshll.u32 v4, $0x8  }
0x80: {  	v35 =	vld [tilespmem:$0x360];
	v4 =	vadd.s32 v5, v4;
	v5 =	vshll.u32 v24, $0x8  }
0x81: {  	v36 =	vld [tilespmem:$0x3F0];
	[tilespmem:$0x580] =	vst v4;
	v4 =	vadd.s32 v25, v5;
	v5 =	vshll.u32 v26, $0x8  }
0x82: {  	v37 =	vld [tilespmem:$0x370];
	[tilespmem:$0x590] =	vst v4;
	v4 =	vadd.s32 v27, v5;
	v5 =	vshll.u32 v28, $0x8  }
0x83: {  	[tilespmem:$0x5A0] =	vst v4;
	v4 =	vadd.s32 v29, v5;
	v5 =	vshll.u32 v30, $0x8  }
0x84: {  	[tilespmem:$0x5B0] =	vst v4;
	v4 =	vadd.s32 v31, v5;
	v5 =	vshll.u32 v32, $0x8  }
0x85: {  	[tilespmem:$0x5C0] =	vst v4;
	v4 =	vadd.s32 v33, v5;
	v5 =	vshll.u32 v34, $0x8  }
0x86: {  	[tilespmem:$0x5D0] =	vst v4;
	v4 =	vadd.s32 v35, v5;
	v5 =	vshll.u32 v36, $0x8  }
0x87: {  	[tilespmem:$0x5E0] =	vst v4;
	v4 =	vadd.s32 v37, v5  }
0x88: {  	[tilespmem:$0x5F0] =	vst v4  }
0x89: {  	[tilespmem:s25], [sflag:$0x5] =	stream.indirect.gather [hbm4b:s1+s14], $0x1, s24, s14, $0xb8;
	[tilespmem:$0xB00] =	vst v63  }
0x8a: {  	_ =	swait.ge [sflag:s26], $0x80  }
0x8b: {  	[sflag:s26] =	ssyncset.done $0x0  }
0x8c: {  	[sflag:s26] =	ssyncadd.s32 $0xFFFFFF80  }
0x8d: {  	v4 =	vld [tilespmem:$0x800]  }
0x8e: {  	v5 =	vld [tilespmem:$0x810]  }
0x8f: {  	v38 =	vld [tilespmem:$0x820]  }
0x90: {  	v39 =	vld [tilespmem:$0x830];
	_ =	sdelay $0x2  }
0x91: {  	v40 =	vmax.f32 v4, v5  }
0x92: {  	v8 =	vmax.f32 v40, v38  }
0x93: {  	v8 =	vmax.f32 v8, v39  }
0x94: {  	v41 =	vperm.xlane v8, v0;
	_ =	sdelay $0x1  }
0x95: {  	v8 =	vmax.f32 v8, v41  }
0x96: {  	v9 =	vperm.xlane v8, v1;
	_ =	sdelay $0x1  }
0x97: {  	v8 =	vmax.f32 v8, v9  }
0x98: {  	v9 =	vperm.xlane v8, v2;
	_ =	sdelay $0x1  }
0x99: {  	v8 =	vmax.f32 v8, v9  }
0x9a: {  	v9 =	vperm.xlane v8, v3;
	_ =	sdelay $0x1  }
0x9b: {  	v8 =	vmax.f32 v8, v9  }
0x9c: {  	v9 =	vsub.f32 v4, v8  }
0x9d: {  	v42 =	vsub.f32 v5, v8  }
0x9e: {  	v9 =	vmul.f32 $1.442695020e+00, v9  }
0x9f: {  	v43 =	vsub.f32 v38, v8;
	v10 =	vmul.f32 $1.442695020e+00, v42  }
0xa0: {  	(erf) = vpow2.f32 v9  }
0xa1: {  	v45 =	vsub.f32 v39, v8;
	v44 =	vmul.f32 $1.442695020e+00, v43;
	(erf) = vpow2.f32 v10;
	_ =	sdelay $0x1  }
0xa2: {  	v46 =	vmul.f32 $1.442695020e+00, v45;
	(erf) = vpow2.f32 v44;
	_ =	sdelay $0x1  }
0xa3: {  	(erf) = vpow2.f32 v46;
	_ =	sdelay $0x3  }
0xa4: {  	v47 =	vpop (erf)  }
0xa5: {  	v48 =	vpop (erf)  }
0xa6: {  	v9 =	vadd.f32 v48, v47  }
0xa7: {  	v49 =	vpop (erf)  }
0xa8: {  	v9 =	vadd.f32 v9, v49  }
0xa9: {  	v50 =	vpop (erf)  }
0xaa: {  	v9 =	vadd.f32 v9, v50;
	_ =	sdelay $0x1  }
0xab: {  	v10 =	vperm.xlane v9, v0;
	_ =	sdelay $0x1  }
0xac: {  	v9 =	vadd.f32 v9, v10;
	_ =	sdelay $0x1  }
0xad: {  	v10 =	vperm.xlane v9, v1;
	_ =	sdelay $0x1  }
0xae: {  	v9 =	vadd.f32 v9, v10;
	_ =	sdelay $0x1  }
0xaf: {  	v10 =	vperm.xlane v9, v2;
	_ =	sdelay $0x1  }
0xb0: {  	v9 =	vadd.f32 v9, v10;
	_ =	sdelay $0x1  }
0xb1: {  	v10 =	vperm.xlane v9, v3;
	_ =	sdelay $0x1  }
0xb2: {  	v9 =	vadd.f32 v9, v10;
	_ =	sdelay $0x1  }
0xb3: {  	v10 =	vcvt.s32.f32 v9;
	_ =	sdelay $0x1  }
0xb4: {  	v10 =	vmul.f32 $1.192092900e-07, v10;
	_ =	sdelay $0x1  }
0xb5: {  	v10 =	vadd.f32 $-1.270000000e+02, v10;
	_ =	sdelay $0x1  }
0xb6: {  	v10 =	vmul.f32 $6.931471820e-01, v10;
	_ =	sdelay $0x1  }
0xb7: {  	v51 =	vsub.f32 $0.0e+00, v10;
	_ =	sdelay $0x1  }
0xb8: {  	v11 =	vmul.f32 $1.442695020e+00, v51;
	_ =	sdelay $0x1  }
0xb9: {  	(erf) = vpow2.f32 v11;
	_ =	sdelay $0x8  }
0xba: {  	v11 =	vpop (erf)  }
0xbb: {  	v10 =	vadd.f32 $-1.000000000e+00, v10;
	v11 =	vmul.f32 v11, v9;
	_ =	sdelay $0x1  }
0xbc: {  	v10 =	vadd.f32 v11, v10;
	_ =	sdelay $0x1  }
0xbd: {  	v11 =	vsub.f32 $0.0e+00, v10;
	_ =	sdelay $0x1  }
0xbe: {  	v11 =	vmul.f32 $1.442695020e+00, v11;
	_ =	sdelay $0x1  }
0xbf: {  	(erf) = vpow2.f32 v11;
	_ =	sdelay $0x8  }
0xc0: {  	v11 =	vpop (erf)  }
0xc1: {  	v10 =	vadd.f32 $-1.000000000e+00, v10;
	v11 =	vmul.f32 v11, v9;
	_ =	sdelay $0x1  }
0xc2: {  	v10 =	vadd.f32 v11, v10;
	_ =	sdelay $0x1  }
0xc3: {  	v11 =	vsub.f32 $0.0e+00, v10;
	_ =	sdelay $0x1  }
0xc4: {  	v11 =	vmul.f32 $1.442695020e+00, v11;
	_ =	sdelay $0x1  }
0xc5: {  	(erf) = vpow2.f32 v11;
	_ =	sdelay $0x8  }
0xc6: {  	v11 =	vpop (erf)  }
0xc7: {  	v10 =	vadd.f32 $-1.000000000e+00, v10;
	v9 =	vmul.f32 v11, v9;
	_ =	sdelay $0x1  }
0xc8: {  	v9 =	vadd.f32 v9, v10;
	_ =	sdelay $0x1  }
0xc9: {  	v8 =	vadd.f32 v9, v8;
	_ =	sdelay $0x1  }
0xca: {  	v4 =	vsub.f32 v4, v8  }
0xcb: {  	v5 =	vsub.f32 v5, v8  }
0xcc: {  	[tilespmem:$0x880] =	vst v4;
	v4 =	vsub.f32 v38, v8  }
0xcd: {  	[tilespmem:$0x890] =	vst v5;
	v5 =	vsub.f32 v39, v8  }
0xce: {  	[tilespmem:$0x8A0] =	vst v4  }
0xcf: {  	[tilespmem:$0x8B0] =	vst v5  }
0xd0: {  	_ =	swait.ge [sflag:s13], $0x80  }
0xd1: {  	[sflag:s13] =	ssyncset.done $0x0  }
0xd2: {  	[sflag:s13] =	ssyncadd.s32 $0xFFFFFF80  }
0xd3: {  	v4 =	vld [tilespmem:$0x600];
	_ =	sdelay $0x5  }
0xd4: {  	v5 =	vld [tilespmem:$0x610];
	_ =	sdelay $0x1  }
0xd5: {  	v4 =	vld.idx.msk [tilespmem:v4+s28+$0x0], $0xffff;
	_ =	sdelay $0x3  }
0xd6: {  	v52 =	vld [tilespmem:$0x620]  }
0xd7: {  	[tilespmem:$0x900] =	vst v4  }
0xd8: {  	v4 =	vld.idx.msk [tilespmem:v5+s28+$0x0], $0xffff;
	_ =	sdelay $0x3  }
0xd9: {  	v5 =	vld [tilespmem:$0x630]  }
0xda: {  	[tilespmem:$0x910] =	vst v4  }
0xdb: {  	v4 =	vld.idx.msk [tilespmem:v52+s28+$0x0], $0xffff;
	_ =	sdelay $0x3  }
0xdc: {  	v53 =	vld [tilespmem:$0x640]  }
0xdd: {  	[tilespmem:$0x920] =	vst v4  }
0xde: {  	v4 =	vld.idx.msk [tilespmem:v5+s28+$0x0], $0xffff;
	_ =	sdelay $0x3  }
0xdf: {  	v5 =	vld [tilespmem:$0x650]  }
0xe0: {  	[tilespmem:$0x930] =	vst v4  }
0xe1: {  	v4 =	vld.idx.msk [tilespmem:v53+s28+$0x0], $0xffff;
	_ =	sdelay $0x3  }
0xe2: {  	v54 =	vld [tilespmem:$0x660]  }
0xe3: {  	[tilespmem:$0x940] =	vst v4  }
0xe4: {  	v4 =	vld.idx.msk [tilespmem:v5+s28+$0x0], $0xffff;
	_ =	sdelay $0x3  }
0xe5: {  	v5 =	vld [tilespmem:$0x670]  }
0xe6: {  	[tilespmem:$0x950] =	vst v4  }
0xe7: {  	v4 =	vld.idx.msk [tilespmem:v54+s28+$0x0], $0xffff;
	_ =	sdelay $0x4  }
0xe8: {  	[tilespmem:$0x960] =	vst v4  }
0xe9: {  	v4 =	vld.idx.msk [tilespmem:v5+s28+$0x0], $0xffff;
	_ =	sdelay $0x4  }
0xea: {  	[tilespmem:$0x970] =	vst v4  }
0xeb: {  	[hbm4b:s4+s3] =	stream.linear.scatter [tilespmem:s29], [sflag:$0x1], $0x80, $0x38;
	[tilespmem:$0xB00] =	vst v63  }
0xec: {  	_ =	swait.ge [sflag:s17], $0x80  }
0xed: {  	[sflag:s17] =	ssyncset.done $0x0  }
0xee: {  	[sflag:s17] =	ssyncadd.s32 $0xFFFFFF80  }
0xef: {  	v4 =	vld [tilespmem:$0x680];
	_ =	sdelay $0x5  }
0xf0: {  	v5 =	vld [tilespmem:$0x690];
	_ =	sdelay $0x1  }
0xf1: {  	v4 =	vld.idx.msk [tilespmem:v4+s28+$0x0], $0xffff;
	_ =	sdelay $0x3  }
0xf2: {  	v55 =	vld [tilespmem:$0x6A0]  }
0xf3: {  	[tilespmem:$0x980] =	vst v4  }
0xf4: {  	v4 =	vld.idx.msk [tilespmem:v5+s28+$0x0], $0xffff;
	_ =	sdelay $0x3  }
0xf5: {  	v5 =	vld [tilespmem:$0x6B0]  }
0xf6: {  	[tilespmem:$0x990] =	vst v4  }
0xf7: {  	v4 =	vld.idx.msk [tilespmem:v55+s28+$0x0], $0xffff;
	_ =	sdelay $0x3  }
0xf8: {  	v56 =	vld [tilespmem:$0x6C0]  }
0xf9: {  	[tilespmem:$0x9A0] =	vst v4  }
0xfa: {  	v4 =	vld.idx.msk [tilespmem:v5+s28+$0x0], $0xffff;
	_ =	sdelay $0x3  }
0xfb: {  	v5 =	vld [tilespmem:$0x6D0]  }
0xfc: {  	[tilespmem:$0x9B0] =	vst v4  }
0xfd: {  	v4 =	vld.idx.msk [tilespmem:v56+s28+$0x0], $0xffff;
	_ =	sdelay $0x3  }
0xfe: {  	v57 =	vld [tilespmem:$0x6E0]  }
0xff: {  	[tilespmem:$0x9C0] =	vst v4  }
0x100: {  	v4 =	vld.idx.msk [tilespmem:v5+s28+$0x0], $0xffff;
	_ =	sdelay $0x3  }
0x101: {  	v5 =	vld [tilespmem:$0x6F0]  }
0x102: {  	[tilespmem:$0x9D0] =	vst v4  }
0x103: {  	v4 =	vld.idx.msk [tilespmem:v57+s28+$0x0], $0xffff;
	_ =	sdelay $0x4  }
0x104: {  	[tilespmem:$0x9E0] =	vst v4  }
0x105: {  	v4 =	vld.idx.msk [tilespmem:v5+s28+$0x0], $0xffff;
	_ =	sdelay $0x4  }
0x106: {  	[tilespmem:$0x9F0] =	vst v4  }
0x107: {  	[hbm4b:s5+s3] =	stream.linear.scatter [tilespmem:s30], [sflag:$0x1], $0x80, $0x38;
	[tilespmem:$0xB00] =	vst v63  }
0x108: {  	_ =	swait.ge [sflag:s20], $0x80  }
0x109: {  	[sflag:s20] =	ssyncset.done $0x0  }
0x10a: {  	[sflag:s20] =	ssyncadd.s32 $0xFFFFFF80  }
0x10b: {  	v4 =	vld [tilespmem:$0x700];
	_ =	sdelay $0x5  }
0x10c: {  	v5 =	vld [tilespmem:$0x710];
	_ =	sdelay $0x1  }
0x10d: {  	v4 =	vld.idx.msk [tilespmem:v4+s28+$0x0], $0xffff;
	_ =	sdelay $0x3  }
0x10e: {  	v58 =	vld [tilespmem:$0x720]  }
0x10f: {  	[tilespmem:$0xA00] =	vst v4  }
0x110: {  	v4 =	vld.idx.msk [tilespmem:v5+s28+$0x0], $0xffff;
	_ =	sdelay $0x3  }
0x111: {  	v5 =	vld [tilespmem:$0x730]  }
0x112: {  	[tilespmem:$0xA10] =	vst v4  }
0x113: {  	v4 =	vld.idx.msk [tilespmem:v58+s28+$0x0], $0xffff;
	_ =	sdelay $0x3  }
0x114: {  	v59 =	vld [tilespmem:$0x740]  }
0x115: {  	[tilespmem:$0xA20] =	vst v4  }
0x116: {  	v4 =	vld.idx.msk [tilespmem:v5+s28+$0x0], $0xffff;
	_ =	sdelay $0x3  }
0x117: {  	v5 =	vld [tilespmem:$0x750]  }
0x118: {  	[tilespmem:$0xA30] =	vst v4  }
0x119: {  	v4 =	vld.idx.msk [tilespmem:v59+s28+$0x0], $0xffff;
	_ =	sdelay $0x3  }
0x11a: {  	v60 =	vld [tilespmem:$0x760]  }
0x11b: {  	[tilespmem:$0xA40] =	vst v4  }
0x11c: {  	v4 =	vld.idx.msk [tilespmem:v5+s28+$0x0], $0xffff;
	_ =	sdelay $0x3  }
0x11d: {  	v5 =	vld [tilespmem:$0x770]  }
0x11e: {  	[tilespmem:$0xA50] =	vst v4  }
0x11f: {  	v4 =	vld.idx.msk [tilespmem:v60+s28+$0x0], $0xffff;
	_ =	sdelay $0x4  }
0x120: {  	[tilespmem:$0xA60] =	vst v4  }
0x121: {  	v4 =	vld.idx.msk [tilespmem:v5+s28+$0x0], $0xffff;
	_ =	sdelay $0x4  }
0x122: {  	[tilespmem:$0xA70] =	vst v4  }
0x123: {  	[hbm4b:s6+s3] =	stream.linear.scatter [tilespmem:s31], [sflag:$0x1], $0x80, $0x38;
	[tilespmem:$0xB00] =	vst v63  }
0x124: {  	_ =	swait.ge [sflag:s23], $0x80  }
0x125: {  	[sflag:s23] =	ssyncset.done $0x0  }
0x126: {  	[sflag:s23] =	ssyncadd.s32 $0xFFFFFF80  }
0x127: {  	v4 =	vld [tilespmem:$0x780];
	_ =	sdelay $0x5  }
0x128: {  	v5 =	vld [tilespmem:$0x790];
	_ =	sdelay $0x1  }
0x129: {  	v4 =	vld.idx.msk [tilespmem:v4+s28+$0x0], $0xffff;
	_ =	sdelay $0x3  }
0x12a: {  	v61 =	vld [tilespmem:$0x7A0]  }
0x12b: {  	[tilespmem:$0xA80] =	vst v4  }
0x12c: {  	v4 =	vld.idx.msk [tilespmem:v5+s28+$0x0], $0xffff;
	_ =	sdelay $0x3  }
0x12d: {  	v5 =	vld [tilespmem:$0x7B0]  }
0x12e: {  	[tilespmem:$0xA90] =	vst v4  }
0x12f: {  	v4 =	vld.idx.msk [tilespmem:v61+s28+$0x0], $0xffff;
	_ =	sdelay $0x3  }
0x130: {  	v62 =	vld [tilespmem:$0x7C0]  }
0x131: {  	[tilespmem:$0xAA0] =	vst v4  }
0x132: {  	v4 =	vld.idx.msk [tilespmem:v5+s28+$0x0], $0xffff;
	_ =	sdelay $0x3  }
0x133: {  	v5 =	vld [tilespmem:$0x7D0]  }
0x134: {  	[tilespmem:$0xAB0] =	vst v4  }
0x135: {  	v4 =	vld.idx.msk [tilespmem:v62+s28+$0x0], $0xffff;
	_ =	sdelay $0x3  }
0x136: {  	v63 =	vld [tilespmem:$0x7E0]  }
0x137: {  	[tilespmem:$0xAC0] =	vst v4  }
0x138: {  	v4 =	vld.idx.msk [tilespmem:v5+s28+$0x0], $0xffff;
	_ =	sdelay $0x3  }
0x139: {  	v5 =	vld [tilespmem:$0x7F0]  }
0x13a: {  	[tilespmem:$0xAD0] =	vst v4  }
0x13b: {  	v4 =	vld.idx.msk [tilespmem:v63+s28+$0x0], $0xffff;
	_ =	sdelay $0x4  }
0x13c: {  	[tilespmem:$0xAE0] =	vst v4  }
0x13d: {  	v4 =	vld.idx.msk [tilespmem:v5+s28+$0x0], $0xffff;
	_ =	sdelay $0x4  }
0x13e: {  	[tilespmem:$0xAF0] =	vst v4  }
0x13f: {  	[hbm4b:s8+s3] =	stream.linear.scatter [tilespmem:s0], [sflag:$0x1], $0x80, $0x38;
	[tilespmem:$0xB00] =	vst v63  }
0x140: {  	_ =	swait.ge [sflag:s26], $0x80  }
0x141: {  	[sflag:s26] =	ssyncset.done $0x0  }
0x142: {  	[sflag:s26] =	ssyncadd.s32 $0xFFFFFF80  }
0x143: {  	_ =	swait.ge [sflag:s26], $0x80  }
0x144: {  	[sflag:s26] =	ssyncset.done $0x0  }
0x145: {  	[sflag:s26] =	ssyncadd.s32 $0xFFFFFF80  }
0x146: {  	p0 =	sne.s32 s9, $0x1;
	_ =	swait.ge [sflag:s26], $0x80  }
.Ltmp0:
0x147: {  	[sflag:s26] =	ssyncset.done $0x0;
	(pc) =	sbr.rel @p0 .LBB2_1-.Ltmp0, $4  }
0x148: {  	[sflag:s26] =	ssyncadd.s32 $0xFFFFFF80  }
0x149: {  	_ =	swait.ge [sflag:s26], $0x80  }
0x14a: {  	[sflag:s26] =	ssyncset.done $0x0  }
0x14b: {  	s9 =	sadd.s32 $0xFFFFFFFF, s9;
	[sflag:s26] =	ssyncadd.s32 $0xFFFFFF80  }
0x14c: {  	_ =	sfence.sel $0x180000  }
0x14d: {  	[bflag:$0x0] =	sbarrier.arrive $0xFFFF  }
0x14e: {  	_ =	strace $0x90000047  }
0x14f: {  	s0 =	stileid.u32;
	[bflag:$0x2] =	sbarrier.arrive $0xFFFF  }
0x150: {  	p0 =	sne.s32 s0, $0x0;
	s0 =	rddreg [dreg:$0x4]  }
0x151: {  	s0 =	sadd.s32 @!p0 $0x100000, s0  }
0x152: {  	[sflag:s0] =	ssyncadd.tile.s32 @!p0 $0x1;
	_ =	shalt  }
.Lfunc_end2:
_tile_overlayer_lowered:
.L_overlay_start_2:
0x153: {  	(tag) =	ssettag $0x2  }
0x154: {  	s0 =	rddreg [dreg:$0x0];
	s2 =	stileid.u32  }
0x155: {  	s1 =	rddreg [dreg:$0x1];
	p0 =	sne.s32 s2, $0x0  }
0x156: {  	s3 =	rddreg [dreg:$0x2];
	[bflag:$0x3] =	sbarrier.arrive $0xFFFF;
	s2 =	simm.s32 @!p0 $0x1C06  }
0x157: {  	[timem:s3], [sflag:s2] =	dma.local @!p0 [hbm:s0], s1  }
0x158: {  	s0 =	simm.s32 @!p0 $0x6  }
0x159: {  	_ =	swait.ge @!p0 [sflag:s0], s1  }
0x15a: {  	s1 =	ssub.s32 @!p0 $0x0, s1;
	[sflag:s0] =	ssyncset.done @!p0 $0x0  }
0x15b: {  	[sflag:s0] =	ssyncadd.s32 @!p0 s1  }
0x15c: {  	[bflag:$0x3] =	sbarrier.arrive $0xFFFF  }
0x15d: {  	_ =	shalt  }

</sc_bundles>
